<compile_context>
chip_gen: v7x
topology: tpu7x:2x2x1
jax: 0.10.2.dev20260603
libtpu: 0.0.44.dev20260713+nightly
codegen_flags: <defaults>
</compile_context>

<pallas_src>
import functools

import jax
import jax.numpy as jnp
from jax import lax
from jax.experimental import pallas as pl
from jax.experimental.pallas import tpu as pltpu
from jax.experimental.pallas import tpu_sc as plsc

SRC_SHAPE = (16384, 1024)
ROWS, COLS = SRC_SHAPE
WROWS = ROWS // 4
NUM_WORKERS = 32
ROWS_PER_WORKER = ROWS // NUM_WORKERS
CHUNK_ROWS = 16
CHUNK_WROWS = CHUNK_ROWS // 4
NUM_PAIRS = ROWS_PER_WORKER // (2 * CHUNK_ROWS)
CHUNK = CHUNK_ROWS * COLS

_mesh = plsc.VectorSubcoreMesh(core_axis_name="c", subcore_axis_name="s")


@functools.partial(
    pl.kernel,
    mesh=_mesh,
    compiler_params=pltpu.CompilerParams(needs_layout_passes=False),
    out_type=jax.ShapeDtypeStruct((WROWS, COLS), jnp.int32),
    scratch_types=[
        pltpu.VMEM((256,), jnp.float32),
        pltpu.VMEM((CHUNK_ROWS, COLS), jnp.float32),
        pltpu.VMEM((CHUNK_ROWS, COLS), jnp.float32),
        pltpu.VMEM((CHUNK_ROWS, COLS), jnp.int32),
        pltpu.VMEM((CHUNK_ROWS, COLS), jnp.int32),
        pltpu.VMEM((2 * CHUNK_WROWS, COLS), jnp.int32),
        pltpu.VMEM((2 * CHUNK_WROWS, COLS), jnp.int32),
        pltpu.SemaphoreType.DMA,
        pltpu.SemaphoreType.DMA,
        pltpu.SemaphoreType.DMA,
        pltpu.SemaphoreType.DMA,
        pltpu.SemaphoreType.DMA,
        pltpu.SemaphoreType.DMA,
    ],
)
def _bsgen_sc(src_hbm, table_hbm, idx_hbm, out_hbm,
              table_v, src_v0, src_v1, idx_v0, idx_v1, out_v0, out_v1,
              sem_s0, sem_s1, sem_i0, sem_i1, sem_o0, sem_o1):
    wid = lax.axis_index("s") * 2 + lax.axis_index("c")
    row0 = wid * ROWS_PER_WORKER
    wrow0 = wid * (ROWS_PER_WORKER // 4)

    in_slots = (
        (src_v0, idx_v0, sem_s0, sem_i0),
        (src_v1, idx_v1, sem_s1, sem_i1),
    )
    out_bufs = ((out_v0, sem_o0), (out_v1, sem_o1))

    def start_in(g, sl):
        src_v, idx_v, sem_s, sem_i = sl
        r = row0 + g * CHUNK_ROWS
        pltpu.async_copy(src_hbm.at[pl.ds(r, CHUNK_ROWS), :], src_v, sem_s)
        pltpu.async_copy(idx_hbm.at[pl.ds(r, CHUNK_ROWS), :], idx_v, sem_i)

    def wait_in(sl):
        src_v, idx_v, sem_s, sem_i = sl
        pltpu.make_async_copy(src_hbm.at[pl.ds(row0, CHUNK_ROWS), :], src_v,
                              sem_s).wait()
        pltpu.make_async_copy(idx_hbm.at[pl.ds(row0, CHUNK_ROWS), :], idx_v,
                              sem_i).wait()

    def start_out(p, ob):
        out_v, sem_o = ob
        r = wrow0 + p * (2 * CHUNK_WROWS)
        pltpu.async_copy(out_v, out_hbm.at[pl.ds(r, 2 * CHUNK_WROWS), :], sem_o)

    def wait_out(ob):
        out_v, sem_o = ob
        pltpu.make_async_copy(out_v,
                              out_hbm.at[pl.ds(wrow0, 2 * CHUNK_WROWS), :],
                              sem_o).wait()

    pltpu.sync_copy(table_hbm, table_v)

    NCG = COLS // 16

    def compute(sl, out_v, half):
        src_v, idx_v = sl[0], sl[1]
        wr_base = half * CHUNK_WROWS

        @plsc.parallel_loop(0, CHUNK // 64, 1, unroll=8)
        def inner(j):
            wr = j // NCG
            c0 = (j % NCG) * 16
            acc = None
            for b in range(4):
                r = 4 * wr + b
                iv = idx_v[r, pl.ds(c0, 16)]
                tv = plsc.load_gather(table_v, [iv])
                sv = src_v[r, pl.ds(c0, 16)]
                rm = jnp.where(sv > tv, jnp.int32(1 << (8 * b)), jnp.int32(0))
                acc = rm if acc is None else acc | rm
            out_v[wr_base + wr, pl.ds(c0, 16)] = acc

    for b in range(2):
        start_in(b, in_slots[b])

    def quad_body(q, carry):
        for pb in range(2):
            p = q * 2 + pb
            ob = out_bufs[pb]

            @pl.when(p >= 2)
            def _():
                wait_out(ob)

            for b in range(2):
                g = p * 2 + b
                sl = in_slots[b]
                wait_in(sl)
                compute(sl, ob[0], b)

                @pl.when(g + 2 < 2 * NUM_PAIRS)
                def _():
                    start_in(g + 2, sl)

            start_out(p, ob)
        return carry

    lax.fori_loop(0, NUM_PAIRS // 2, quad_body, 0)

    for pb in range(2):
        wait_out(out_bufs[pb])


_TC_BLOCK_WROWS = 512


def _unpack_body(w_ref, o_ref):
    o_ref[...] = pltpu.bitcast(w_ref[...], jnp.int8)


_unpack_tc = pl.pallas_call(
    _unpack_body,
    grid=(WROWS // _TC_BLOCK_WROWS,),
    in_specs=[pl.BlockSpec((_TC_BLOCK_WROWS, COLS), lambda i: (i, 0))],
    out_specs=pl.BlockSpec((4 * _TC_BLOCK_WROWS, COLS), lambda i: (i, 0)),
    out_shape=jax.ShapeDtypeStruct(SRC_SHAPE, jnp.int8),
)


def kernel(source, rng_seq, rng_idx):
    idx = rng_idx.astype(jnp.int32)
    out_w = _bsgen_sc(source, rng_seq, idx)
    return _unpack_tc(out_w)

# --- scband reference (transcript-rebuilt; emitter-appended) ---
"""Pipeline reference for scband-bsgen-16947940950702 (READ-ONLY COPY).

The authoritative reference and input builder live on the scoring server;
editing this copy changes nothing except your own understanding.
"""

import jax, jax.numpy as jnp
import numpy as np

SRC_SHAPE = (16384, 1024)
RNG_LEN = 256

def setup_inputs(seed: int = 0) -> dict:
    key = jax.random.key(seed)
    k1, k2, k3 = jax.random.split(key, 3)
    # source: stochastic-computing source values in [0, 1)
    source = jax.random.uniform(k1, SRC_SHAPE, dtype=jnp.float32)
    # rng_seq: 8-bit LFSR-style random comparison sequence in [0, 1)
    rng_seq = jax.random.uniform(k2, (RNG_LEN,), dtype=jnp.float32)
    # rng_idx: per-element index into rng_seq
    rng_idx = jax.random.randint(k3, SRC_SHAPE, 0, RNG_LEN, dtype=jnp.int64)
    return {"source": source, "rng_seq": rng_seq, "rng_idx": rng_idx}

def reference(source, rng_seq, rng_idx):
    # BSGen.forward: torch.gt(self.source, self.rng_seq[rng_idx]).type(torch.int8)
    thresh = jnp.take(rng_seq, rng_idx, axis=0)  # gather
    return jnp.greater(source, thresh).astype(jnp.int8)

if __name__ == "__main__":
    import jax
    _d = setup_inputs()
    print(jax.jit(kernel)(*tuple(_d.values())))

</pallas_src>

<mosaic_0001>
#map = affine_map<(d0, d1) -> (0, 0)>
#map1 = affine_map<(d0, d1) -> (0)>
module attributes {stable_mosaic.version = 14 : i64} {
  func.func @_bsgen_sc(%arg0: i32, %arg1: i32, %arg2: memref<16384x1024xf32, #tpu.memory_space<hbm>>, %arg3: memref<256xf32, #tpu.memory_space<hbm>>, %arg4: memref<16384x1024xi32, #tpu.memory_space<hbm>>, %arg5: memref<4096x1024xi32, #tpu.memory_space<hbm>>, %arg6: memref<256xf32, #tpu.memory_space<vmem>>, %arg7: memref<16x1024xf32, #tpu.memory_space<vmem>>, %arg8: memref<16x1024xf32, #tpu.memory_space<vmem>>, %arg9: memref<16x1024xi32, #tpu.memory_space<vmem>>, %arg10: memref<16x1024xi32, #tpu.memory_space<vmem>>, %arg11: memref<8x1024xi32, #tpu.memory_space<vmem>>, %arg12: memref<8x1024xi32, #tpu.memory_space<vmem>>, %arg13: memref<!tpu.dma_semaphore, #tpu.memory_space<semaphore_mem>>, %arg14: memref<!tpu.dma_semaphore, #tpu.memory_space<semaphore_mem>>, %arg15: memref<!tpu.dma_semaphore, #tpu.memory_space<semaphore_mem>>, %arg16: memref<!tpu.dma_semaphore, #tpu.memory_space<semaphore_mem>>, %arg17: memref<!tpu.dma_semaphore, #tpu.memory_space<semaphore_mem>>, %arg18: memref<!tpu.dma_semaphore, #tpu.memory_space<semaphore_mem>>) attributes {dimension_semantics = [#tpu.dimension_semantics<core_parallel>, #tpu.dimension_semantics<subcore_parallel>], iteration_bounds = array<i64: 2, 16>, scalar_prefetch = 0 : i64, scratch_operands = 13 : i64, tpu.core_type = #tpu.core_type<sc_vector_subcore>, window_params = [{transform_indices = #map}, {transform_indices = #map1}, {transform_indices = #map}, {transform_indices = #map}]} {
    %mul3A = arith.constant 2 : i32
    %mul3A_0 = arith.muli %arg1, %mul3A : i32
    %add3A = arith.addi %mul3A_0, %arg0 : i32
    %mul3A_1 = arith.constant 512 : i32
    %mul3A_2 = arith.muli %add3A, %mul3A_1 : i32
    %mul3A_3 = arith.constant 128 : i32
    %mul3A_4 = arith.muli %add3A, %mul3A_3 : i32
    "tpu.region"() ({
      %run_scoped3A = tpu.sem_alloc : memref<!tpu.dma_semaphore, #tpu.memory_space<semaphore_mem>>
      tpu.enqueue_dma source(%arg3 : memref<256xf32, #tpu.memory_space<hbm>>) target(%arg6 : memref<256xf32, #tpu.memory_space<vmem>>) target_semaphore(%run_scoped3A : memref<!tpu.dma_semaphore, #tpu.memory_space<semaphore_mem>>)
      tpu.wait_dma2 semaphore(%run_scoped3A : memref<!tpu.dma_semaphore, #tpu.memory_space<semaphore_mem>>) src(%arg3 : memref<256xf32, #tpu.memory_space<hbm>>) dst(%arg6 : memref<256xf32, #tpu.memory_space<vmem>>)
      tpu.yield
    }) : () -> ()
    %add3A_5 = arith.constant 0 : i32
    %add3A_6 = arith.addi %mul3A_2, %add3A_5 : i32
    %dma_start3A = arith.constant 0 : i32
    %dma_start3A_7 = tpu.memref_slice %arg2[%add3A_6, %dma_start3A] : memref<16384x1024xf32, #tpu.memory_space<hbm>> -> memref<16x1024xf32, #tpu.memory_space<hbm>>
    %dma_start3A_8 = arith.constant 0 : i32
    %dma_start3A_9 = tpu.memref_slice %arg2[%add3A_6, %dma_start3A_8] : memref<16384x1024xf32, #tpu.memory_space<hbm>> -> memref<16x1024xf32, #tpu.memory_space<hbm>>
    tpu.enqueue_dma source(%dma_start3A_9 : memref<16x1024xf32, #tpu.memory_space<hbm>>) target(%arg7 : memref<16x1024xf32, #tpu.memory_space<vmem>>) target_semaphore(%arg13 : memref<!tpu.dma_semaphore, #tpu.memory_space<semaphore_mem>>)
    %dma_start3A_10 = arith.constant 0 : i32
    %dma_start3A_11 = tpu.memref_slice %arg4[%add3A_6, %dma_start3A_10] : memref<16384x1024xi32, #tpu.memory_space<hbm>> -> memref<16x1024xi32, #tpu.memory_space<hbm>>
    %dma_start3A_12 = arith.constant 0 : i32
    %dma_start3A_13 = tpu.memref_slice %arg4[%add3A_6, %dma_start3A_12] : memref<16384x1024xi32, #tpu.memory_space<hbm>> -> memref<16x1024xi32, #tpu.memory_space<hbm>>
    tpu.enqueue_dma source(%dma_start3A_13 : memref<16x1024xi32, #tpu.memory_space<hbm>>) target(%arg9 : memref<16x1024xi32, #tpu.memory_space<vmem>>) target_semaphore(%arg15 : memref<!tpu.dma_semaphore, #tpu.memory_space<semaphore_mem>>)
    %add3A_14 = arith.constant 16 : i32
    %add3A_15 = arith.addi %mul3A_2, %add3A_14 : i32
    %dma_start3A_16 = arith.constant 0 : i32
    %dma_start3A_17 = tpu.memref_slice %arg2[%add3A_15, %dma_start3A_16] : memref<16384x1024xf32, #tpu.memory_space<hbm>> -> memref<16x1024xf32, #tpu.memory_space<hbm>>
    %dma_start3A_18 = arith.constant 0 : i32
    %dma_start3A_19 = tpu.memref_slice %arg2[%add3A_15, %dma_start3A_18] : memref<16384x1024xf32, #tpu.memory_space<hbm>> -> memref<16x1024xf32, #tpu.memory_space<hbm>>
    tpu.enqueue_dma source(%dma_start3A_19 : memref<16x1024xf32, #tpu.memory_space<hbm>>) target(%arg8 : memref<16x1024xf32, #tpu.memory_space<vmem>>) target_semaphore(%arg14 : memref<!tpu.dma_semaphore, #tpu.memory_space<semaphore_mem>>)
    %dma_start3A_20 = arith.constant 0 : i32
    %dma_start3A_21 = tpu.memref_slice %arg4[%add3A_15, %dma_start3A_20] : memref<16384x1024xi32, #tpu.memory_space<hbm>> -> memref<16x1024xi32, #tpu.memory_space<hbm>>
    %dma_start3A_22 = arith.constant 0 : i32
    %dma_start3A_23 = tpu.memref_slice %arg4[%add3A_15, %dma_start3A_22] : memref<16384x1024xi32, #tpu.memory_space<hbm>> -> memref<16x1024xi32, #tpu.memory_space<hbm>>
    tpu.enqueue_dma source(%dma_start3A_23 : memref<16x1024xi32, #tpu.memory_space<hbm>>) target(%arg10 : memref<16x1024xi32, #tpu.memory_space<vmem>>) target_semaphore(%arg16 : memref<!tpu.dma_semaphore, #tpu.memory_space<semaphore_mem>>)
    %scan3A = arith.constant 0 : i32
    %scan3A_24 = arith.constant 0 : i32
    %scan3A_25 = arith.constant 8 : i32
    %scan3A_26 = arith.addi %scan3A_24, %scan3A_25 : i32
    %scan3A_27 = arith.constant 1 : i32
    scf.for %scan3A_36 = %scan3A_24 to %scan3A_26 step %scan3A_27  : i32 {
      %mul3A_37 = arith.constant 2 : i32
      %mul3A_38 = arith.muli %scan3A_36, %mul3A_37 : i32
      %add3A_39 = arith.constant 0 : i32
      %add3A_40 = arith.addi %mul3A_38, %add3A_39 : i32
      %ge3A = arith.constant 2 : i32
      %ge3A_41 = arith.cmpi sge, %add3A_40, %ge3A : i32
      %convert_element_type3A = arith.extui %ge3A_41 : i1 to i32
      %cond3A = arith.constant 0 : i32
      %cond3A_42 = arith.cmpi ne, %convert_element_type3A, %cond3A : i32
      scf.if %cond3A_42 {
        %dma_wait3A_152 = arith.constant 0 : i32
        %dma_wait3A_153 = tpu.memref_slice %arg5[%mul3A_4, %dma_wait3A_152] : memref<4096x1024xi32, #tpu.memory_space<hbm>> -> memref<8x1024xi32, #tpu.memory_space<hbm>>
        %dma_wait3A_154 = arith.constant 0 : i32
        %dma_wait3A_155 = tpu.memref_slice %arg5[%mul3A_4, %dma_wait3A_154] : memref<4096x1024xi32, #tpu.memory_space<hbm>> -> memref<8x1024xi32, #tpu.memory_space<hbm>>
        tpu.wait_dma2 semaphore(%arg17 : memref<!tpu.dma_semaphore, #tpu.memory_space<semaphore_mem>>) src(%arg11 : memref<8x1024xi32, #tpu.memory_space<vmem>>) dst(%dma_wait3A_155 : memref<8x1024xi32, #tpu.memory_space<hbm>>)
      } else {
      }
      %mul3A_43 = arith.constant 2 : i32
      %mul3A_44 = arith.muli %add3A_40, %mul3A_43 : i32
      %add3A_45 = arith.constant 0 : i32
      %add3A_46 = arith.addi %mul3A_44, %add3A_45 : i32
      %dma_wait3A_47 = arith.constant 0 : i32
      %dma_wait3A_48 = tpu.memref_slice %arg2[%mul3A_2, %dma_wait3A_47] : memref<16384x1024xf32, #tpu.memory_space<hbm>> -> memref<16x1024xf32, #tpu.memory_space<hbm>>
      %dma_wait3A_49 = arith.constant 0 : i32
      %dma_wait3A_50 = tpu.memref_slice %arg2[%mul3A_2, %dma_wait3A_49] : memref<16384x1024xf32, #tpu.memory_space<hbm>> -> memref<16x1024xf32, #tpu.memory_space<hbm>>
      tpu.wait_dma2 semaphore(%arg13 : memref<!tpu.dma_semaphore, #tpu.memory_space<semaphore_mem>>) src(%dma_wait3A_50 : memref<16x1024xf32, #tpu.memory_space<hbm>>) dst(%arg7 : memref<16x1024xf32, #tpu.memory_space<vmem>>)
      %dma_wait3A_51 = arith.constant 0 : i32
      %dma_wait3A_52 = tpu.memref_slice %arg4[%mul3A_2, %dma_wait3A_51] : memref<16384x1024xi32, #tpu.memory_space<hbm>> -> memref<16x1024xi32, #tpu.memory_space<hbm>>
      %dma_wait3A_53 = arith.constant 0 : i32
      %dma_wait3A_54 = tpu.memref_slice %arg4[%mul3A_2, %dma_wait3A_53] : memref<16384x1024xi32, #tpu.memory_space<hbm>> -> memref<16x1024xi32, #tpu.memory_space<hbm>>
      tpu.wait_dma2 semaphore(%arg15 : memref<!tpu.dma_semaphore, #tpu.memory_space<semaphore_mem>>) src(%dma_wait3A_54 : memref<16x1024xi32, #tpu.memory_space<hbm>>) dst(%arg9 : memref<16x1024xi32, #tpu.memory_space<vmem>>)
      %parallel_loop3A = arith.constant 0 : i32
      %parallel_loop3A_55 = arith.constant 256 : i32
      %parallel_loop3A_56 = arith.constant 1 : i32
      scf.for %parallel_loop3A_152 = %parallel_loop3A to %parallel_loop3A_55 step %parallel_loop3A_56  : i32 {
        %parallel_loop3A_153 = arith.constant 64 : i32
        %parallel_loop3A_154 = arith.divsi %parallel_loop3A_152, %parallel_loop3A_153 : i32
        %parallel_loop3A_155 = arith.constant 0 : i32
        %parallel_loop3A_156 = arith.cmpi sgt, %parallel_loop3A_152, %parallel_loop3A_155 : i32
        %parallel_loop3A_157 = arith.extui %parallel_loop3A_156 : i1 to i32
        %parallel_loop3A_158 = arith.constant 0 : i32
        %parallel_loop3A_159 = arith.cmpi slt, %parallel_loop3A_152, %parallel_loop3A_158 : i32
        %parallel_loop3A_160 = arith.extui %parallel_loop3A_159 : i1 to i32
        %parallel_loop3A_161 = arith.subi %parallel_loop3A_157, %parallel_loop3A_160 : i32
        %parallel_loop3A_162 = arith.constant 0 : i32
        %parallel_loop3A_163 = arith.cmpi sgt, %parallel_loop3A_153, %parallel_loop3A_162 : i32
        %parallel_loop3A_164 = arith.extui %parallel_loop3A_163 : i1 to i32
        %parallel_loop3A_165 = arith.constant 0 : i32
        %parallel_loop3A_166 = arith.cmpi slt, %parallel_loop3A_153, %parallel_loop3A_165 : i32
        %parallel_loop3A_167 = arith.extui %parallel_loop3A_166 : i1 to i32
        %parallel_loop3A_168 = arith.subi %parallel_loop3A_164, %parallel_loop3A_167 : i32
        %parallel_loop3A_169 = arith.cmpi ne, %parallel_loop3A_161, %parallel_loop3A_168 : i32
        %parallel_loop3A_170 = arith.remsi %parallel_loop3A_152, %parallel_loop3A_153 : i32
        %parallel_loop3A_171 = arith.constant 0 : i32
        %parallel_loop3A_172 = arith.cmpi ne, %parallel_loop3A_170, %parallel_loop3A_171 : i32
        %parallel_loop3A_173 = arith.andi %parallel_loop3A_169, %parallel_loop3A_172 : i1
        %parallel_loop3A_174 = arith.constant 1 : i32
        %parallel_loop3A_175 = arith.subi %parallel_loop3A_154, %parallel_loop3A_174 : i32
        %parallel_loop3A_176 = arith.select %parallel_loop3A_173, %parallel_loop3A_175, %parallel_loop3A_154 : i32
        %parallel_loop3A_177 = arith.constant 64 : i32
        %parallel_loop3A_178 = arith.constant 0 : i32
        %parallel_loop3A_179 = arith.cmpi eq, %parallel_loop3A_177, %parallel_loop3A_178 : i32
        %parallel_loop3A_180 = arith.constant 1 : i32
        %parallel_loop3A_181 = arith.select %parallel_loop3A_179, %parallel_loop3A_180, %parallel_loop3A_177 : i32
        %parallel_loop3A_182 = arith.remsi %parallel_loop3A_152, %parallel_loop3A_181 : i32
        %parallel_loop3A_183 = arith.constant 0 : i32
        %parallel_loop3A_184 = arith.cmpi ne, %parallel_loop3A_182, %parallel_loop3A_183 : i32
        %parallel_loop3A_185 = arith.constant 0 : i32
        %parallel_loop3A_186 = arith.cmpi slt, %parallel_loop3A_182, %parallel_loop3A_185 : i32
        %parallel_loop3A_187 = arith.constant 0 : i32
        %parallel_loop3A_188 = arith.cmpi slt, %parallel_loop3A_181, %parallel_loop3A_187 : i32
        %parallel_loop3A_189 = arith.xori %parallel_loop3A_186, %parallel_loop3A_188 : i1
        %parallel_loop3A_190 = arith.andi %parallel_loop3A_189, %parallel_loop3A_184 : i1
        %parallel_loop3A_191 = arith.addi %parallel_loop3A_182, %parallel_loop3A_181 : i32
        %parallel_loop3A_192 = arith.select %parallel_loop3A_190, %parallel_loop3A_191, %parallel_loop3A_182 : i32
        %parallel_loop3A_193 = arith.constant 16 : i32
        %parallel_loop3A_194 = arith.muli %parallel_loop3A_192, %parallel_loop3A_193 : i32
        %parallel_loop3A_195 = arith.constant 4 : i32
        %parallel_loop3A_196 = arith.muli %parallel_loop3A_195, %parallel_loop3A_176 : i32
        %parallel_loop3A_197 = arith.constant 0 : i32
        %parallel_loop3A_198 = arith.addi %parallel_loop3A_196, %parallel_loop3A_197 : i32
        %parallel_loop3A_199 = arith.index_cast %parallel_loop3A_198 : i32 to index
        %parallel_loop3A_200 = arith.index_cast %parallel_loop3A_194 : i32 to index
        %parallel_loop3A_201 = tpu.vector_load %arg9[%parallel_loop3A_199, %parallel_loop3A_200] {strides = array<i32>} : memref<16x1024xi32, #tpu.memory_space<vmem>>, vector<16xi32>,
        %parallel_loop3A_202 = tpu.vector_load_idx %arg6[%parallel_loop3A_201] : memref<256xf32, #tpu.memory_space<vmem>>[vector<16xi32>], vector<16xf32>,
        %parallel_loop3A_203 = arith.index_cast %parallel_loop3A_198 : i32 to index
        %parallel_loop3A_204 = arith.index_cast %parallel_loop3A_194 : i32 to index
        %parallel_loop3A_205 = tpu.vector_load %arg7[%parallel_loop3A_203, %parallel_loop3A_204] {strides = array<i32>} : memref<16x1024xf32, #tpu.memory_space<vmem>>, vector<16xf32>,
        %parallel_loop3A_206 = arith.cmpf ogt, %parallel_loop3A_205, %parallel_loop3A_202 : vector<16xf32>
        %parallel_loop3A_207 = arith.constant 1 : i32
        %parallel_loop3A_208 = arith.constant 0 : i32
        %parallel_loop3A_209 = vector.broadcast %parallel_loop3A_207 : i32 to vector<16xi32>
        %parallel_loop3A_210 = vector.broadcast %parallel_loop3A_208 : i32 to vector<16xi32>
        %parallel_loop3A_211 = arith.select %parallel_loop3A_206, %parallel_loop3A_209, %parallel_loop3A_210 : vector<16xi1>, vector<16xi32>
        %parallel_loop3A_212 = arith.constant 4 : i32
        %parallel_loop3A_213 = arith.muli %parallel_loop3A_212, %parallel_loop3A_176 : i32
        %parallel_loop3A_214 = arith.constant 1 : i32
        %parallel_loop3A_215 = arith.addi %parallel_loop3A_213, %parallel_loop3A_214 : i32
        %parallel_loop3A_216 = arith.index_cast %parallel_loop3A_215 : i32 to index
        %parallel_loop3A_217 = arith.index_cast %parallel_loop3A_194 : i32 to index
        %parallel_loop3A_218 = tpu.vector_load %arg9[%parallel_loop3A_216, %parallel_loop3A_217] {strides = array<i32>} : memref<16x1024xi32, #tpu.memory_space<vmem>>, vector<16xi32>,
        %parallel_loop3A_219 = tpu.vector_load_idx %arg6[%parallel_loop3A_218] : memref<256xf32, #tpu.memory_space<vmem>>[vector<16xi32>], vector<16xf32>,
        %parallel_loop3A_220 = arith.index_cast %parallel_loop3A_215 : i32 to index
        %parallel_loop3A_221 = arith.index_cast %parallel_loop3A_194 : i32 to index
        %parallel_loop3A_222 = tpu.vector_load %arg7[%parallel_loop3A_220, %parallel_loop3A_221] {strides = array<i32>} : memref<16x1024xf32, #tpu.memory_space<vmem>>, vector<16xf32>,
        %parallel_loop3A_223 = arith.cmpf ogt, %parallel_loop3A_222, %parallel_loop3A_219 : vector<16xf32>
        %parallel_loop3A_224 = arith.constant 256 : i32
        %parallel_loop3A_225 = arith.constant 0 : i32
        %parallel_loop3A_226 = vector.broadcast %parallel_loop3A_224 : i32 to vector<16xi32>
        %parallel_loop3A_227 = vector.broadcast %parallel_loop3A_225 : i32 to vector<16xi32>
        %parallel_loop3A_228 = arith.select %parallel_loop3A_223, %parallel_loop3A_226, %parallel_loop3A_227 : vector<16xi1>, vector<16xi32>
        %parallel_loop3A_229 = arith.ori %parallel_loop3A_211, %parallel_loop3A_228 : vector<16xi32>
        %parallel_loop3A_230 = arith.constant 4 : i32
        %parallel_loop3A_231 = arith.muli %parallel_loop3A_230, %parallel_loop3A_176 : i32
        %parallel_loop3A_232 = arith.constant 2 : i32
        %parallel_loop3A_233 = arith.addi %parallel_loop3A_231, %parallel_loop3A_232 : i32
        %parallel_loop3A_234 = arith.index_cast %parallel_loop3A_233 : i32 to index
        %parallel_loop3A_235 = arith.index_cast %parallel_loop3A_194 : i32 to index
        %parallel_loop3A_236 = tpu.vector_load %arg9[%parallel_loop3A_234, %parallel_loop3A_235] {strides = array<i32>} : memref<16x1024xi32, #tpu.memory_space<vmem>>, vector<16xi32>,
        %parallel_loop3A_237 = tpu.vector_load_idx %arg6[%parallel_loop3A_236] : memref<256xf32, #tpu.memory_space<vmem>>[vector<16xi32>], vector<16xf32>,
        %parallel_loop3A_238 = arith.index_cast %parallel_loop3A_233 : i32 to index
        %parallel_loop3A_239 = arith.index_cast %parallel_loop3A_194 : i32 to index
        %parallel_loop3A_240 = tpu.vector_load %arg7[%parallel_loop3A_238, %parallel_loop3A_239] {strides = array<i32>} : memref<16x1024xf32, #tpu.memory_space<vmem>>, vector<16xf32>,
        %parallel_loop3A_241 = arith.cmpf ogt, %parallel_loop3A_240, %parallel_loop3A_237 : vector<16xf32>
        %parallel_loop3A_242 = arith.constant 65536 : i32
        %parallel_loop3A_243 = arith.constant 0 : i32
        %parallel_loop3A_244 = vector.broadcast %parallel_loop3A_242 : i32 to vector<16xi32>
        %parallel_loop3A_245 = vector.broadcast %parallel_loop3A_243 : i32 to vector<16xi32>
        %parallel_loop3A_246 = arith.select %parallel_loop3A_241, %parallel_loop3A_244, %parallel_loop3A_245 : vector<16xi1>, vector<16xi32>
        %parallel_loop3A_247 = arith.ori %parallel_loop3A_229, %parallel_loop3A_246 : vector<16xi32>
        %parallel_loop3A_248 = arith.constant 4 : i32
        %parallel_loop3A_249 = arith.muli %parallel_loop3A_248, %parallel_loop3A_176 : i32
        %parallel_loop3A_250 = arith.constant 3 : i32
        %parallel_loop3A_251 = arith.addi %parallel_loop3A_249, %parallel_loop3A_250 : i32
        %parallel_loop3A_252 = arith.index_cast %parallel_loop3A_251 : i32 to index
        %parallel_loop3A_253 = arith.index_cast %parallel_loop3A_194 : i32 to index
        %parallel_loop3A_254 = tpu.vector_load %arg9[%parallel_loop3A_252, %parallel_loop3A_253] {strides = array<i32>} : memref<16x1024xi32, #tpu.memory_space<vmem>>, vector<16xi32>,
        %parallel_loop3A_255 = tpu.vector_load_idx %arg6[%parallel_loop3A_254] : memref<256xf32, #tpu.memory_space<vmem>>[vector<16xi32>], vector<16xf32>,
        %parallel_loop3A_256 = arith.index_cast %parallel_loop3A_251 : i32 to index
        %parallel_loop3A_257 = arith.index_cast %parallel_loop3A_194 : i32 to index
        %parallel_loop3A_258 = tpu.vector_load %arg7[%parallel_loop3A_256, %parallel_loop3A_257] {strides = array<i32>} : memref<16x1024xf32, #tpu.memory_space<vmem>>, vector<16xf32>,
        %parallel_loop3A_259 = arith.cmpf ogt, %parallel_loop3A_258, %parallel_loop3A_255 : vector<16xf32>
        %parallel_loop3A_260 = arith.constant 16777216 : i32
        %parallel_loop3A_261 = arith.constant 0 : i32
        %parallel_loop3A_262 = vector.broadcast %parallel_loop3A_260 : i32 to vector<16xi32>
        %parallel_loop3A_263 = vector.broadcast %parallel_loop3A_261 : i32 to vector<16xi32>
        %parallel_loop3A_264 = arith.select %parallel_loop3A_259, %parallel_loop3A_262, %parallel_loop3A_263 : vector<16xi1>, vector<16xi32>
        %parallel_loop3A_265 = arith.ori %parallel_loop3A_247, %parallel_loop3A_264 : vector<16xi32>
        %parallel_loop3A_266 = arith.constant 0 : i32
        %parallel_loop3A_267 = arith.addi %parallel_loop3A_266, %parallel_loop3A_176 : i32
        %parallel_loop3A_268 = arith.index_cast %parallel_loop3A_267 : i32 to index
        %parallel_loop3A_269 = arith.index_cast %parallel_loop3A_194 : i32 to index
        %parallel_loop3A_270 = tpu.vector_load %arg11[%parallel_loop3A_268, %parallel_loop3A_269] {strides = array<i32>} : memref<8x1024xi32, #tpu.memory_space<vmem>>, vector<16xi32>,
        tpu.vector_store %arg11[%parallel_loop3A_268, %parallel_loop3A_269], %parallel_loop3A_265 {strides = array<i32>} : memref<8x1024xi32, #tpu.memory_space<vmem>>, vector<16xi32>,
      } {sc.loop_unroll_factor = 8 : i64, sc.parallel_access}
      %add3A_57 = arith.constant 2 : i32
      %add3A_58 = arith.addi %add3A_46, %add3A_57 : i32
      %lt3A = arith.constant 32 : i32
      %lt3A_59 = arith.cmpi slt, %add3A_58, %lt3A : i32
      %convert_element_type3A_60 = arith.extui %lt3A_59 : i1 to i32
      %cond3A_61 = arith.constant 0 : i32
      %cond3A_62 = arith.cmpi ne, %convert_element_type3A_60, %cond3A_61 : i32
      scf.if %cond3A_62 {
        %add3A_152 = arith.constant 2 : i32
        %add3A_153 = arith.addi %add3A_46, %add3A_152 : i32
        %mul3A_154 = arith.constant 16 : i32
        %mul3A_155 = arith.muli %add3A_153, %mul3A_154 : i32
        %add3A_156 = arith.addi %mul3A_2, %mul3A_155 : i32
        %dma_start3A_157 = arith.constant 0 : i32
        %dma_start3A_158 = tpu.memref_slice %arg2[%add3A_156, %dma_start3A_157] : memref<16384x1024xf32, #tpu.memory_space<hbm>> -> memref<16x1024xf32, #tpu.memory_space<hbm>>
        %dma_start3A_159 = arith.constant 0 : i32
        %dma_start3A_160 = tpu.memref_slice %arg2[%add3A_156, %dma_start3A_159] : memref<16384x1024xf32, #tpu.memory_space<hbm>> -> memref<16x1024xf32, #tpu.memory_space<hbm>>
        tpu.enqueue_dma source(%dma_start3A_160 : memref<16x1024xf32, #tpu.memory_space<hbm>>) target(%arg7 : memref<16x1024xf32, #tpu.memory_space<vmem>>) target_semaphore(%arg13 : memref<!tpu.dma_semaphore, #tpu.memory_space<semaphore_mem>>)
        %dma_start3A_161 = arith.constant 0 : i32
        %dma_start3A_162 = tpu.memref_slice %arg4[%add3A_156, %dma_start3A_161] : memref<16384x1024xi32, #tpu.memory_space<hbm>> -> memref<16x1024xi32, #tpu.memory_space<hbm>>
        %dma_start3A_163 = arith.constant 0 : i32
        %dma_start3A_164 = tpu.memref_slice %arg4[%add3A_156, %dma_start3A_163] : memref<16384x1024xi32, #tpu.memory_space<hbm>> -> memref<16x1024xi32, #tpu.memory_space<hbm>>
        tpu.enqueue_dma source(%dma_start3A_164 : memref<16x1024xi32, #tpu.memory_space<hbm>>) target(%arg9 : memref<16x1024xi32, #tpu.memory_space<vmem>>) target_semaphore(%arg15 : memref<!tpu.dma_semaphore, #tpu.memory_space<semaphore_mem>>)
      } else {
      }
      %mul3A_63 = arith.constant 2 : i32
      %mul3A_64 = arith.muli %add3A_40, %mul3A_63 : i32
      %add3A_65 = arith.constant 1 : i32
      %add3A_66 = arith.addi %mul3A_64, %add3A_65 : i32
      %dma_wait3A_67 = arith.constant 0 : i32
      %dma_wait3A_68 = tpu.memref_slice %arg2[%mul3A_2, %dma_wait3A_67] : memref<16384x1024xf32, #tpu.memory_space<hbm>> -> memref<16x1024xf32, #tpu.memory_space<hbm>>
      %dma_wait3A_69 = arith.constant 0 : i32
      %dma_wait3A_70 = tpu.memref_slice %arg2[%mul3A_2, %dma_wait3A_69] : memref<16384x1024xf32, #tpu.memory_space<hbm>> -> memref<16x1024xf32, #tpu.memory_space<hbm>>
      tpu.wait_dma2 semaphore(%arg14 : memref<!tpu.dma_semaphore, #tpu.memory_space<semaphore_mem>>) src(%dma_wait3A_70 : memref<16x1024xf32, #tpu.memory_space<hbm>>) dst(%arg8 : memref<16x1024xf32, #tpu.memory_space<vmem>>)
      %dma_wait3A_71 = arith.constant 0 : i32
      %dma_wait3A_72 = tpu.memref_slice %arg4[%mul3A_2, %dma_wait3A_71] : memref<16384x1024xi32, #tpu.memory_space<hbm>> -> memref<16x1024xi32, #tpu.memory_space<hbm>>
      %dma_wait3A_73 = arith.constant 0 : i32
      %dma_wait3A_74 = tpu.memref_slice %arg4[%mul3A_2, %dma_wait3A_73] : memref<16384x1024xi32, #tpu.memory_space<hbm>> -> memref<16x1024xi32, #tpu.memory_space<hbm>>
      tpu.wait_dma2 semaphore(%arg16 : memref<!tpu.dma_semaphore, #tpu.memory_space<semaphore_mem>>) src(%dma_wait3A_74 : memref<16x1024xi32, #tpu.memory_space<hbm>>) dst(%arg10 : memref<16x1024xi32, #tpu.memory_space<vmem>>)
      %parallel_loop3A_75 = arith.constant 0 : i32
      %parallel_loop3A_76 = arith.constant 256 : i32
      %parallel_loop3A_77 = arith.constant 1 : i32
      scf.for %parallel_loop3A_152 = %parallel_loop3A_75 to %parallel_loop3A_76 step %parallel_loop3A_77  : i32 {
        %parallel_loop3A_153 = arith.constant 64 : i32
        %parallel_loop3A_154 = arith.divsi %parallel_loop3A_152, %parallel_loop3A_153 : i32
        %parallel_loop3A_155 = arith.constant 0 : i32
        %parallel_loop3A_156 = arith.cmpi sgt, %parallel_loop3A_152, %parallel_loop3A_155 : i32
        %parallel_loop3A_157 = arith.extui %parallel_loop3A_156 : i1 to i32
        %parallel_loop3A_158 = arith.constant 0 : i32
        %parallel_loop3A_159 = arith.cmpi slt, %parallel_loop3A_152, %parallel_loop3A_158 : i32
        %parallel_loop3A_160 = arith.extui %parallel_loop3A_159 : i1 to i32
        %parallel_loop3A_161 = arith.subi %parallel_loop3A_157, %parallel_loop3A_160 : i32
        %parallel_loop3A_162 = arith.constant 0 : i32
        %parallel_loop3A_163 = arith.cmpi sgt, %parallel_loop3A_153, %parallel_loop3A_162 : i32
        %parallel_loop3A_164 = arith.extui %parallel_loop3A_163 : i1 to i32
        %parallel_loop3A_165 = arith.constant 0 : i32
        %parallel_loop3A_166 = arith.cmpi slt, %parallel_loop3A_153, %parallel_loop3A_165 : i32
        %parallel_loop3A_167 = arith.extui %parallel_loop3A_166 : i1 to i32
        %parallel_loop3A_168 = arith.subi %parallel_loop3A_164, %parallel_loop3A_167 : i32
        %parallel_loop3A_169 = arith.cmpi ne, %parallel_loop3A_161, %parallel_loop3A_168 : i32
        %parallel_loop3A_170 = arith.remsi %parallel_loop3A_152, %parallel_loop3A_153 : i32
        %parallel_loop3A_171 = arith.constant 0 : i32
        %parallel_loop3A_172 = arith.cmpi ne, %parallel_loop3A_170, %parallel_loop3A_171 : i32
        %parallel_loop3A_173 = arith.andi %parallel_loop3A_169, %parallel_loop3A_172 : i1
        %parallel_loop3A_174 = arith.constant 1 : i32
        %parallel_loop3A_175 = arith.subi %parallel_loop3A_154, %parallel_loop3A_174 : i32
        %parallel_loop3A_176 = arith.select %parallel_loop3A_173, %parallel_loop3A_175, %parallel_loop3A_154 : i32
        %parallel_loop3A_177 = arith.constant 64 : i32
        %parallel_loop3A_178 = arith.constant 0 : i32
        %parallel_loop3A_179 = arith.cmpi eq, %parallel_loop3A_177, %parallel_loop3A_178 : i32
        %parallel_loop3A_180 = arith.constant 1 : i32
        %parallel_loop3A_181 = arith.select %parallel_loop3A_179, %parallel_loop3A_180, %parallel_loop3A_177 : i32
        %parallel_loop3A_182 = arith.remsi %parallel_loop3A_152, %parallel_loop3A_181 : i32
        %parallel_loop3A_183 = arith.constant 0 : i32
        %parallel_loop3A_184 = arith.cmpi ne, %parallel_loop3A_182, %parallel_loop3A_183 : i32
        %parallel_loop3A_185 = arith.constant 0 : i32
        %parallel_loop3A_186 = arith.cmpi slt, %parallel_loop3A_182, %parallel_loop3A_185 : i32
        %parallel_loop3A_187 = arith.constant 0 : i32
        %parallel_loop3A_188 = arith.cmpi slt, %parallel_loop3A_181, %parallel_loop3A_187 : i32
        %parallel_loop3A_189 = arith.xori %parallel_loop3A_186, %parallel_loop3A_188 : i1
        %parallel_loop3A_190 = arith.andi %parallel_loop3A_189, %parallel_loop3A_184 : i1
        %parallel_loop3A_191 = arith.addi %parallel_loop3A_182, %parallel_loop3A_181 : i32
        %parallel_loop3A_192 = arith.select %parallel_loop3A_190, %parallel_loop3A_191, %parallel_loop3A_182 : i32
        %parallel_loop3A_193 = arith.constant 16 : i32
        %parallel_loop3A_194 = arith.muli %parallel_loop3A_192, %parallel_loop3A_193 : i32
        %parallel_loop3A_195 = arith.constant 4 : i32
        %parallel_loop3A_196 = arith.muli %parallel_loop3A_195, %parallel_loop3A_176 : i32
        %parallel_loop3A_197 = arith.constant 0 : i32
        %parallel_loop3A_198 = arith.addi %parallel_loop3A_196, %parallel_loop3A_197 : i32
        %parallel_loop3A_199 = arith.index_cast %parallel_loop3A_198 : i32 to index
        %parallel_loop3A_200 = arith.index_cast %parallel_loop3A_194 : i32 to index
        %parallel_loop3A_201 = tpu.vector_load %arg10[%parallel_loop3A_199, %parallel_loop3A_200] {strides = array<i32>} : memref<16x1024xi32, #tpu.memory_space<vmem>>, vector<16xi32>,
        %parallel_loop3A_202 = tpu.vector_load_idx %arg6[%parallel_loop3A_201] : memref<256xf32, #tpu.memory_space<vmem>>[vector<16xi32>], vector<16xf32>,
        %parallel_loop3A_203 = arith.index_cast %parallel_loop3A_198 : i32 to index
        %parallel_loop3A_204 = arith.index_cast %parallel_loop3A_194 : i32 to index
        %parallel_loop3A_205 = tpu.vector_load %arg8[%parallel_loop3A_203, %parallel_loop3A_204] {strides = array<i32>} : memref<16x1024xf32, #tpu.memory_space<vmem>>, vector<16xf32>,
        %parallel_loop3A_206 = arith.cmpf ogt, %parallel_loop3A_205, %parallel_loop3A_202 : vector<16xf32>
        %parallel_loop3A_207 = arith.constant 1 : i32
        %parallel_loop3A_208 = arith.constant 0 : i32
        %parallel_loop3A_209 = vector.broadcast %parallel_loop3A_207 : i32 to vector<16xi32>
        %parallel_loop3A_210 = vector.broadcast %parallel_loop3A_208 : i32 to vector<16xi32>
        %parallel_loop3A_211 = arith.select %parallel_loop3A_206, %parallel_loop3A_209, %parallel_loop3A_210 : vector<16xi1>, vector<16xi32>
        %parallel_loop3A_212 = arith.constant 4 : i32
        %parallel_loop3A_213 = arith.muli %parallel_loop3A_212, %parallel_loop3A_176 : i32
        %parallel_loop3A_214 = arith.constant 1 : i32
        %parallel_loop3A_215 = arith.addi %parallel_loop3A_213, %parallel_loop3A_214 : i32
        %parallel_loop3A_216 = arith.index_cast %parallel_loop3A_215 : i32 to index
        %parallel_loop3A_217 = arith.index_cast %parallel_loop3A_194 : i32 to index
        %parallel_loop3A_218 = tpu.vector_load %arg10[%parallel_loop3A_216, %parallel_loop3A_217] {strides = array<i32>} : memref<16x1024xi32, #tpu.memory_space<vmem>>, vector<16xi32>,
        %parallel_loop3A_219 = tpu.vector_load_idx %arg6[%parallel_loop3A_218] : memref<256xf32, #tpu.memory_space<vmem>>[vector<16xi32>], vector<16xf32>,
        %parallel_loop3A_220 = arith.index_cast %parallel_loop3A_215 : i32 to index
        %parallel_loop3A_221 = arith.index_cast %parallel_loop3A_194 : i32 to index
        %parallel_loop3A_222 = tpu.vector_load %arg8[%parallel_loop3A_220, %parallel_loop3A_221] {strides = array<i32>} : memref<16x1024xf32, #tpu.memory_space<vmem>>, vector<16xf32>,
        %parallel_loop3A_223 = arith.cmpf ogt, %parallel_loop3A_222, %parallel_loop3A_219 : vector<16xf32>
        %parallel_loop3A_224 = arith.constant 256 : i32
        %parallel_loop3A_225 = arith.constant 0 : i32
        %parallel_loop3A_226 = vector.broadcast %parallel_loop3A_224 : i32 to vector<16xi32>
        %parallel_loop3A_227 = vector.broadcast %parallel_loop3A_225 : i32 to vector<16xi32>
        %parallel_loop3A_228 = arith.select %parallel_loop3A_223, %parallel_loop3A_226, %parallel_loop3A_227 : vector<16xi1>, vector<16xi32>
        %parallel_loop3A_229 = arith.ori %parallel_loop3A_211, %parallel_loop3A_228 : vector<16xi32>
        %parallel_loop3A_230 = arith.constant 4 : i32
        %parallel_loop3A_231 = arith.muli %parallel_loop3A_230, %parallel_loop3A_176 : i32
        %parallel_loop3A_232 = arith.constant 2 : i32
        %parallel_loop3A_233 = arith.addi %parallel_loop3A_231, %parallel_loop3A_232 : i32
        %parallel_loop3A_234 = arith.index_cast %parallel_loop3A_233 : i32 to index
        %parallel_loop3A_235 = arith.index_cast %parallel_loop3A_194 : i32 to index
        %parallel_loop3A_236 = tpu.vector_load %arg10[%parallel_loop3A_234, %parallel_loop3A_235] {strides = array<i32>} : memref<16x1024xi32, #tpu.memory_space<vmem>>, vector<16xi32>,
        %parallel_loop3A_237 = tpu.vector_load_idx %arg6[%parallel_loop3A_236] : memref<256xf32, #tpu.memory_space<vmem>>[vector<16xi32>], vector<16xf32>,
        %parallel_loop3A_238 = arith.index_cast %parallel_loop3A_233 : i32 to index
        %parallel_loop3A_239 = arith.index_cast %parallel_loop3A_194 : i32 to index
        %parallel_loop3A_240 = tpu.vector_load %arg8[%parallel_loop3A_238, %parallel_loop3A_239] {strides = array<i32>} : memref<16x1024xf32, #tpu.memory_space<vmem>>, vector<16xf32>,
        %parallel_loop3A_241 = arith.cmpf ogt, %parallel_loop3A_240, %parallel_loop3A_237 : vector<16xf32>
        %parallel_loop3A_242 = arith.constant 65536 : i32
        %parallel_loop3A_243 = arith.constant 0 : i32
        %parallel_loop3A_244 = vector.broadcast %parallel_loop3A_242 : i32 to vector<16xi32>
        %parallel_loop3A_245 = vector.broadcast %parallel_loop3A_243 : i32 to vector<16xi32>
        %parallel_loop3A_246 = arith.select %parallel_loop3A_241, %parallel_loop3A_244, %parallel_loop3A_245 : vector<16xi1>, vector<16xi32>
        %parallel_loop3A_247 = arith.ori %parallel_loop3A_229, %parallel_loop3A_246 : vector<16xi32>
        %parallel_loop3A_248 = arith.constant 4 : i32
        %parallel_loop3A_249 = arith.muli %parallel_loop3A_248, %parallel_loop3A_176 : i32
        %parallel_loop3A_250 = arith.constant 3 : i32
        %parallel_loop3A_251 = arith.addi %parallel_loop3A_249, %parallel_loop3A_250 : i32
        %parallel_loop3A_252 = arith.index_cast %parallel_loop3A_251 : i32 to index
        %parallel_loop3A_253 = arith.index_cast %parallel_loop3A_194 : i32 to index
        %parallel_loop3A_254 = tpu.vector_load %arg10[%parallel_loop3A_252, %parallel_loop3A_253] {strides = array<i32>} : memref<16x1024xi32, #tpu.memory_space<vmem>>, vector<16xi32>,
        %parallel_loop3A_255 = tpu.vector_load_idx %arg6[%parallel_loop3A_254] : memref<256xf32, #tpu.memory_space<vmem>>[vector<16xi32>], vector<16xf32>,
        %parallel_loop3A_256 = arith.index_cast %parallel_loop3A_251 : i32 to index
        %parallel_loop3A_257 = arith.index_cast %parallel_loop3A_194 : i32 to index
        %parallel_loop3A_258 = tpu.vector_load %arg8[%parallel_loop3A_256, %parallel_loop3A_257] {strides = array<i32>} : memref<16x1024xf32, #tpu.memory_space<vmem>>, vector<16xf32>,
        %parallel_loop3A_259 = arith.cmpf ogt, %parallel_loop3A_258, %parallel_loop3A_255 : vector<16xf32>
        %parallel_loop3A_260 = arith.constant 16777216 : i32
        %parallel_loop3A_261 = arith.constant 0 : i32
        %parallel_loop3A_262 = vector.broadcast %parallel_loop3A_260 : i32 to vector<16xi32>
        %parallel_loop3A_263 = vector.broadcast %parallel_loop3A_261 : i32 to vector<16xi32>
        %parallel_loop3A_264 = arith.select %parallel_loop3A_259, %parallel_loop3A_262, %parallel_loop3A_263 : vector<16xi1>, vector<16xi32>
        %parallel_loop3A_265 = arith.ori %parallel_loop3A_247, %parallel_loop3A_264 : vector<16xi32>
        %parallel_loop3A_266 = arith.constant 4 : i32
        %parallel_loop3A_267 = arith.addi %parallel_loop3A_266, %parallel_loop3A_176 : i32
        %parallel_loop3A_268 = arith.index_cast %parallel_loop3A_267 : i32 to index
        %parallel_loop3A_269 = arith.index_cast %parallel_loop3A_194 : i32 to index
        %parallel_loop3A_270 = tpu.vector_load %arg11[%parallel_loop3A_268, %parallel_loop3A_269] {strides = array<i32>} : memref<8x1024xi32, #tpu.memory_space<vmem>>, vector<16xi32>,
        tpu.vector_store %arg11[%parallel_loop3A_268, %parallel_loop3A_269], %parallel_loop3A_265 {strides = array<i32>} : memref<8x1024xi32, #tpu.memory_space<vmem>>, vector<16xi32>,
      } {sc.loop_unroll_factor = 8 : i64, sc.parallel_access}
      %add3A_78 = arith.constant 2 : i32
      %add3A_79 = arith.addi %add3A_66, %add3A_78 : i32
      %lt3A_80 = arith.constant 32 : i32
      %lt3A_81 = arith.cmpi slt, %add3A_79, %lt3A_80 : i32
      %convert_element_type3A_82 = arith.extui %lt3A_81 : i1 to i32
      %cond3A_83 = arith.constant 0 : i32
      %cond3A_84 = arith.cmpi ne, %convert_element_type3A_82, %cond3A_83 : i32
      scf.if %cond3A_84 {
        %add3A_152 = arith.constant 2 : i32
        %add3A_153 = arith.addi %add3A_66, %add3A_152 : i32
        %mul3A_154 = arith.constant 16 : i32
        %mul3A_155 = arith.muli %add3A_153, %mul3A_154 : i32
        %add3A_156 = arith.addi %mul3A_2, %mul3A_155 : i32
        %dma_start3A_157 = arith.constant 0 : i32
        %dma_start3A_158 = tpu.memref_slice %arg2[%add3A_156, %dma_start3A_157] : memref<16384x1024xf32, #tpu.memory_space<hbm>> -> memref<16x1024xf32, #tpu.memory_space<hbm>>
        %dma_start3A_159 = arith.constant 0 : i32
        %dma_start3A_160 = tpu.memref_slice %arg2[%add3A_156, %dma_start3A_159] : memref<16384x1024xf32, #tpu.memory_space<hbm>> -> memref<16x1024xf32, #tpu.memory_space<hbm>>
        tpu.enqueue_dma source(%dma_start3A_160 : memref<16x1024xf32, #tpu.memory_space<hbm>>) target(%arg8 : memref<16x1024xf32, #tpu.memory_space<vmem>>) target_semaphore(%arg14 : memref<!tpu.dma_semaphore, #tpu.memory_space<semaphore_mem>>)
        %dma_start3A_161 = arith.constant 0 : i32
        %dma_start3A_162 = tpu.memref_slice %arg4[%add3A_156, %dma_start3A_161] : memref<16384x1024xi32, #tpu.memory_space<hbm>> -> memref<16x1024xi32, #tpu.memory_space<hbm>>
        %dma_start3A_163 = arith.constant 0 : i32
        %dma_start3A_164 = tpu.memref_slice %arg4[%add3A_156, %dma_start3A_163] : memref<16384x1024xi32, #tpu.memory_space<hbm>> -> memref<16x1024xi32, #tpu.memory_space<hbm>>
        tpu.enqueue_dma source(%dma_start3A_164 : memref<16x1024xi32, #tpu.memory_space<hbm>>) target(%arg10 : memref<16x1024xi32, #tpu.memory_space<vmem>>) target_semaphore(%arg16 : memref<!tpu.dma_semaphore, #tpu.memory_space<semaphore_mem>>)
      } else {
      }
      %mul3A_85 = arith.constant 8 : i32
      %mul3A_86 = arith.muli %add3A_40, %mul3A_85 : i32
      %add3A_87 = arith.addi %mul3A_4, %mul3A_86 : i32
      %dma_start3A_88 = arith.constant 0 : i32
      %dma_start3A_89 = tpu.memref_slice %arg5[%add3A_87, %dma_start3A_88] : memref<4096x1024xi32, #tpu.memory_space<hbm>> -> memref<8x1024xi32, #tpu.memory_space<hbm>>
      %dma_start3A_90 = arith.constant 0 : i32
      %dma_start3A_91 = tpu.memref_slice %arg5[%add3A_87, %dma_start3A_90] : memref<4096x1024xi32, #tpu.memory_space<hbm>> -> memref<8x1024xi32, #tpu.memory_space<hbm>>
      tpu.enqueue_dma source(%arg11 : memref<8x1024xi32, #tpu.memory_space<vmem>>) target(%dma_start3A_91 : memref<8x1024xi32, #tpu.memory_space<hbm>>) target_semaphore(%arg17 : memref<!tpu.dma_semaphore, #tpu.memory_space<semaphore_mem>>)
      %mul3A_92 = arith.constant 2 : i32
      %mul3A_93 = arith.muli %scan3A_36, %mul3A_92 : i32
      %add3A_94 = arith.constant 1 : i32
      %add3A_95 = arith.addi %mul3A_93, %add3A_94 : i32
      %ge3A_96 = arith.constant 2 : i32
      %ge3A_97 = arith.cmpi sge, %add3A_95, %ge3A_96 : i32
      %convert_element_type3A_98 = arith.extui %ge3A_97 : i1 to i32
      %cond3A_99 = arith.constant 0 : i32
      %cond3A_100 = arith.cmpi ne, %convert_element_type3A_98, %cond3A_99 : i32
      scf.if %cond3A_100 {
        %dma_wait3A_152 = arith.constant 0 : i32
        %dma_wait3A_153 = tpu.memref_slice %arg5[%mul3A_4, %dma_wait3A_152] : memref<4096x1024xi32, #tpu.memory_space<hbm>> -> memref<8x1024xi32, #tpu.memory_space<hbm>>
        %dma_wait3A_154 = arith.constant 0 : i32
        %dma_wait3A_155 = tpu.memref_slice %arg5[%mul3A_4, %dma_wait3A_154] : memref<4096x1024xi32, #tpu.memory_space<hbm>> -> memref<8x1024xi32, #tpu.memory_space<hbm>>
        tpu.wait_dma2 semaphore(%arg18 : memref<!tpu.dma_semaphore, #tpu.memory_space<semaphore_mem>>) src(%arg12 : memref<8x1024xi32, #tpu.memory_space<vmem>>) dst(%dma_wait3A_155 : memref<8x1024xi32, #tpu.memory_space<hbm>>)
      } else {
      }
      %mul3A_101 = arith.constant 2 : i32
      %mul3A_102 = arith.muli %add3A_95, %mul3A_101 : i32
      %add3A_103 = arith.constant 0 : i32
      %add3A_104 = arith.addi %mul3A_102, %add3A_103 : i32
      %dma_wait3A_105 = arith.constant 0 : i32
      %dma_wait3A_106 = tpu.memref_slice %arg2[%mul3A_2, %dma_wait3A_105] : memref<16384x1024xf32, #tpu.memory_space<hbm>> -> memref<16x1024xf32, #tpu.memory_space<hbm>>
      %dma_wait3A_107 = arith.constant 0 : i32
      %dma_wait3A_108 = tpu.memref_slice %arg2[%mul3A_2, %dma_wait3A_107] : memref<16384x1024xf32, #tpu.memory_space<hbm>> -> memref<16x1024xf32, #tpu.memory_space<hbm>>
      tpu.wait_dma2 semaphore(%arg13 : memref<!tpu.dma_semaphore, #tpu.memory_space<semaphore_mem>>) src(%dma_wait3A_108 : memref<16x1024xf32, #tpu.memory_space<hbm>>) dst(%arg7 : memref<16x1024xf32, #tpu.memory_space<vmem>>)
      %dma_wait3A_109 = arith.constant 0 : i32
      %dma_wait3A_110 = tpu.memref_slice %arg4[%mul3A_2, %dma_wait3A_109] : memref<16384x1024xi32, #tpu.memory_space<hbm>> -> memref<16x1024xi32, #tpu.memory_space<hbm>>
      %dma_wait3A_111 = arith.constant 0 : i32
      %dma_wait3A_112 = tpu.memref_slice %arg4[%mul3A_2, %dma_wait3A_111] : memref<16384x1024xi32, #tpu.memory_space<hbm>> -> memref<16x1024xi32, #tpu.memory_space<hbm>>
      tpu.wait_dma2 semaphore(%arg15 : memref<!tpu.dma_semaphore, #tpu.memory_space<semaphore_mem>>) src(%dma_wait3A_112 : memref<16x1024xi32, #tpu.memory_space<hbm>>) dst(%arg9 : memref<16x1024xi32, #tpu.memory_space<vmem>>)
      %parallel_loop3A_113 = arith.constant 0 : i32
      %parallel_loop3A_114 = arith.constant 256 : i32
      %parallel_loop3A_115 = arith.constant 1 : i32
      scf.for %parallel_loop3A_152 = %parallel_loop3A_113 to %parallel_loop3A_114 step %parallel_loop3A_115  : i32 {
        %parallel_loop3A_153 = arith.constant 64 : i32
        %parallel_loop3A_154 = arith.divsi %parallel_loop3A_152, %parallel_loop3A_153 : i32
        %parallel_loop3A_155 = arith.constant 0 : i32
        %parallel_loop3A_156 = arith.cmpi sgt, %parallel_loop3A_152, %parallel_loop3A_155 : i32
        %parallel_loop3A_157 = arith.extui %parallel_loop3A_156 : i1 to i32
        %parallel_loop3A_158 = arith.constant 0 : i32
        %parallel_loop3A_159 = arith.cmpi slt, %parallel_loop3A_152, %parallel_loop3A_158 : i32
        %parallel_loop3A_160 = arith.extui %parallel_loop3A_159 : i1 to i32
        %parallel_loop3A_161 = arith.subi %parallel_loop3A_157, %parallel_loop3A_160 : i32
        %parallel_loop3A_162 = arith.constant 0 : i32
        %parallel_loop3A_163 = arith.cmpi sgt, %parallel_loop3A_153, %parallel_loop3A_162 : i32
        %parallel_loop3A_164 = arith.extui %parallel_loop3A_163 : i1 to i32
        %parallel_loop3A_165 = arith.constant 0 : i32
        %parallel_loop3A_166 = arith.cmpi slt, %parallel_loop3A_153, %parallel_loop3A_165 : i32
        %parallel_loop3A_167 = arith.extui %parallel_loop3A_166 : i1 to i32
        %parallel_loop3A_168 = arith.subi %parallel_loop3A_164, %parallel_loop3A_167 : i32
        %parallel_loop3A_169 = arith.cmpi ne, %parallel_loop3A_161, %parallel_loop3A_168 : i32
        %parallel_loop3A_170 = arith.remsi %parallel_loop3A_152, %parallel_loop3A_153 : i32
        %parallel_loop3A_171 = arith.constant 0 : i32
        %parallel_loop3A_172 = arith.cmpi ne, %parallel_loop3A_170, %parallel_loop3A_171 : i32
        %parallel_loop3A_173 = arith.andi %parallel_loop3A_169, %parallel_loop3A_172 : i1
        %parallel_loop3A_174 = arith.constant 1 : i32
        %parallel_loop3A_175 = arith.subi %parallel_loop3A_154, %parallel_loop3A_174 : i32
        %parallel_loop3A_176 = arith.select %parallel_loop3A_173, %parallel_loop3A_175, %parallel_loop3A_154 : i32
        %parallel_loop3A_177 = arith.constant 64 : i32
        %parallel_loop3A_178 = arith.constant 0 : i32
        %parallel_loop3A_179 = arith.cmpi eq, %parallel_loop3A_177, %parallel_loop3A_178 : i32
        %parallel_loop3A_180 = arith.constant 1 : i32
        %parallel_loop3A_181 = arith.select %parallel_loop3A_179, %parallel_loop3A_180, %parallel_loop3A_177 : i32
        %parallel_loop3A_182 = arith.remsi %parallel_loop3A_152, %parallel_loop3A_181 : i32
        %parallel_loop3A_183 = arith.constant 0 : i32
        %parallel_loop3A_184 = arith.cmpi ne, %parallel_loop3A_182, %parallel_loop3A_183 : i32
        %parallel_loop3A_185 = arith.constant 0 : i32
        %parallel_loop3A_186 = arith.cmpi slt, %parallel_loop3A_182, %parallel_loop3A_185 : i32
        %parallel_loop3A_187 = arith.constant 0 : i32
        %parallel_loop3A_188 = arith.cmpi slt, %parallel_loop3A_181, %parallel_loop3A_187 : i32
        %parallel_loop3A_189 = arith.xori %parallel_loop3A_186, %parallel_loop3A_188 : i1
        %parallel_loop3A_190 = arith.andi %parallel_loop3A_189, %parallel_loop3A_184 : i1
        %parallel_loop3A_191 = arith.addi %parallel_loop3A_182, %parallel_loop3A_181 : i32
        %parallel_loop3A_192 = arith.select %parallel_loop3A_190, %parallel_loop3A_191, %parallel_loop3A_182 : i32
        %parallel_loop3A_193 = arith.constant 16 : i32
        %parallel_loop3A_194 = arith.muli %parallel_loop3A_192, %parallel_loop3A_193 : i32
        %parallel_loop3A_195 = arith.constant 4 : i32
        %parallel_loop3A_196 = arith.muli %parallel_loop3A_195, %parallel_loop3A_176 : i32
        %parallel_loop3A_197 = arith.constant 0 : i32
        %parallel_loop3A_198 = arith.addi %parallel_loop3A_196, %parallel_loop3A_197 : i32
        %parallel_loop3A_199 = arith.index_cast %parallel_loop3A_198 : i32 to index
        %parallel_loop3A_200 = arith.index_cast %parallel_loop3A_194 : i32 to index
        %parallel_loop3A_201 = tpu.vector_load %arg9[%parallel_loop3A_199, %parallel_loop3A_200] {strides = array<i32>} : memref<16x1024xi32, #tpu.memory_space<vmem>>, vector<16xi32>,
        %parallel_loop3A_202 = tpu.vector_load_idx %arg6[%parallel_loop3A_201] : memref<256xf32, #tpu.memory_space<vmem>>[vector<16xi32>], vector<16xf32>,
        %parallel_loop3A_203 = arith.index_cast %parallel_loop3A_198 : i32 to index
        %parallel_loop3A_204 = arith.index_cast %parallel_loop3A_194 : i32 to index
        %parallel_loop3A_205 = tpu.vector_load %arg7[%parallel_loop3A_203, %parallel_loop3A_204] {strides = array<i32>} : memref<16x1024xf32, #tpu.memory_space<vmem>>, vector<16xf32>,
        %parallel_loop3A_206 = arith.cmpf ogt, %parallel_loop3A_205, %parallel_loop3A_202 : vector<16xf32>
        %parallel_loop3A_207 = arith.constant 1 : i32
        %parallel_loop3A_208 = arith.constant 0 : i32
        %parallel_loop3A_209 = vector.broadcast %parallel_loop3A_207 : i32 to vector<16xi32>
        %parallel_loop3A_210 = vector.broadcast %parallel_loop3A_208 : i32 to vector<16xi32>
        %parallel_loop3A_211 = arith.select %parallel_loop3A_206, %parallel_loop3A_209, %parallel_loop3A_210 : vector<16xi1>, vector<16xi32>
        %parallel_loop3A_212 = arith.constant 4 : i32
        %parallel_loop3A_213 = arith.muli %parallel_loop3A_212, %parallel_loop3A_176 : i32
        %parallel_loop3A_214 = arith.constant 1 : i32
        %parallel_loop3A_215 = arith.addi %parallel_loop3A_213, %parallel_loop3A_214 : i32
        %parallel_loop3A_216 = arith.index_cast %parallel_loop3A_215 : i32 to index
        %parallel_loop3A_217 = arith.index_cast %parallel_loop3A_194 : i32 to index
        %parallel_loop3A_218 = tpu.vector_load %arg9[%parallel_loop3A_216, %parallel_loop3A_217] {strides = array<i32>} : memref<16x1024xi32, #tpu.memory_space<vmem>>, vector<16xi32>,
        %parallel_loop3A_219 = tpu.vector_load_idx %arg6[%parallel_loop3A_218] : memref<256xf32, #tpu.memory_space<vmem>>[vector<16xi32>], vector<16xf32>,
        %parallel_loop3A_220 = arith.index_cast %parallel_loop3A_215 : i32 to index
        %parallel_loop3A_221 = arith.index_cast %parallel_loop3A_194 : i32 to index
        %parallel_loop3A_222 = tpu.vector_load %arg7[%parallel_loop3A_220, %parallel_loop3A_221] {strides = array<i32>} : memref<16x1024xf32, #tpu.memory_space<vmem>>, vector<16xf32>,
        %parallel_loop3A_223 = arith.cmpf ogt, %parallel_loop3A_222, %parallel_loop3A_219 : vector<16xf32>
        %parallel_loop3A_224 = arith.constant 256 : i32
        %parallel_loop3A_225 = arith.constant 0 : i32
        %parallel_loop3A_226 = vector.broadcast %parallel_loop3A_224 : i32 to vector<16xi32>
        %parallel_loop3A_227 = vector.broadcast %parallel_loop3A_225 : i32 to vector<16xi32>
        %parallel_loop3A_228 = arith.select %parallel_loop3A_223, %parallel_loop3A_226, %parallel_loop3A_227 : vector<16xi1>, vector<16xi32>
        %parallel_loop3A_229 = arith.ori %parallel_loop3A_211, %parallel_loop3A_228 : vector<16xi32>
        %parallel_loop3A_230 = arith.constant 4 : i32
        %parallel_loop3A_231 = arith.muli %parallel_loop3A_230, %parallel_loop3A_176 : i32
        %parallel_loop3A_232 = arith.constant 2 : i32
        %parallel_loop3A_233 = arith.addi %parallel_loop3A_231, %parallel_loop3A_232 : i32
        %parallel_loop3A_234 = arith.index_cast %parallel_loop3A_233 : i32 to index
        %parallel_loop3A_235 = arith.index_cast %parallel_loop3A_194 : i32 to index
        %parallel_loop3A_236 = tpu.vector_load %arg9[%parallel_loop3A_234, %parallel_loop3A_235] {strides = array<i32>} : memref<16x1024xi32, #tpu.memory_space<vmem>>, vector<16xi32>,
        %parallel_loop3A_237 = tpu.vector_load_idx %arg6[%parallel_loop3A_236] : memref<256xf32, #tpu.memory_space<vmem>>[vector<16xi32>], vector<16xf32>,
        %parallel_loop3A_238 = arith.index_cast %parallel_loop3A_233 : i32 to index
        %parallel_loop3A_239 = arith.index_cast %parallel_loop3A_194 : i32 to index
        %parallel_loop3A_240 = tpu.vector_load %arg7[%parallel_loop3A_238, %parallel_loop3A_239] {strides = array<i32>} : memref<16x1024xf32, #tpu.memory_space<vmem>>, vector<16xf32>,
        %parallel_loop3A_241 = arith.cmpf ogt, %parallel_loop3A_240, %parallel_loop3A_237 : vector<16xf32>
        %parallel_loop3A_242 = arith.constant 65536 : i32
        %parallel_loop3A_243 = arith.constant 0 : i32
        %parallel_loop3A_244 = vector.broadcast %parallel_loop3A_242 : i32 to vector<16xi32>
        %parallel_loop3A_245 = vector.broadcast %parallel_loop3A_243 : i32 to vector<16xi32>
        %parallel_loop3A_246 = arith.select %parallel_loop3A_241, %parallel_loop3A_244, %parallel_loop3A_245 : vector<16xi1>, vector<16xi32>
        %parallel_loop3A_247 = arith.ori %parallel_loop3A_229, %parallel_loop3A_246 : vector<16xi32>
        %parallel_loop3A_248 = arith.constant 4 : i32
        %parallel_loop3A_249 = arith.muli %parallel_loop3A_248, %parallel_loop3A_176 : i32
        %parallel_loop3A_250 = arith.constant 3 : i32
        %parallel_loop3A_251 = arith.addi %parallel_loop3A_249, %parallel_loop3A_250 : i32
        %parallel_loop3A_252 = arith.index_cast %parallel_loop3A_251 : i32 to index
        %parallel_loop3A_253 = arith.index_cast %parallel_loop3A_194 : i32 to index
        %parallel_loop3A_254 = tpu.vector_load %arg9[%parallel_loop3A_252, %parallel_loop3A_253] {strides = array<i32>} : memref<16x1024xi32, #tpu.memory_space<vmem>>, vector<16xi32>,
        %parallel_loop3A_255 = tpu.vector_load_idx %arg6[%parallel_loop3A_254] : memref<256xf32, #tpu.memory_space<vmem>>[vector<16xi32>], vector<16xf32>,
        %parallel_loop3A_256 = arith.index_cast %parallel_loop3A_251 : i32 to index
        %parallel_loop3A_257 = arith.index_cast %parallel_loop3A_194 : i32 to index
        %parallel_loop3A_258 = tpu.vector_load %arg7[%parallel_loop3A_256, %parallel_loop3A_257] {strides = array<i32>} : memref<16x1024xf32, #tpu.memory_space<vmem>>, vector<16xf32>,
        %parallel_loop3A_259 = arith.cmpf ogt, %parallel_loop3A_258, %parallel_loop3A_255 : vector<16xf32>
        %parallel_loop3A_260 = arith.constant 16777216 : i32
        %parallel_loop3A_261 = arith.constant 0 : i32
        %parallel_loop3A_262 = vector.broadcast %parallel_loop3A_260 : i32 to vector<16xi32>
        %parallel_loop3A_263 = vector.broadcast %parallel_loop3A_261 : i32 to vector<16xi32>
        %parallel_loop3A_264 = arith.select %parallel_loop3A_259, %parallel_loop3A_262, %parallel_loop3A_263 : vector<16xi1>, vector<16xi32>
        %parallel_loop3A_265 = arith.ori %parallel_loop3A_247, %parallel_loop3A_264 : vector<16xi32>
        %parallel_loop3A_266 = arith.constant 0 : i32
        %parallel_loop3A_267 = arith.addi %parallel_loop3A_266, %parallel_loop3A_176 : i32
        %parallel_loop3A_268 = arith.index_cast %parallel_loop3A_267 : i32 to index
        %parallel_loop3A_269 = arith.index_cast %parallel_loop3A_194 : i32 to index
        %parallel_loop3A_270 = tpu.vector_load %arg12[%parallel_loop3A_268, %parallel_loop3A_269] {strides = array<i32>} : memref<8x1024xi32, #tpu.memory_space<vmem>>, vector<16xi32>,
        tpu.vector_store %arg12[%parallel_loop3A_268, %parallel_loop3A_269], %parallel_loop3A_265 {strides = array<i32>} : memref<8x1024xi32, #tpu.memory_space<vmem>>, vector<16xi32>,
      } {sc.loop_unroll_factor = 8 : i64, sc.parallel_access}
      %add3A_116 = arith.constant 2 : i32
      %add3A_117 = arith.addi %add3A_104, %add3A_116 : i32
      %lt3A_118 = arith.constant 32 : i32
      %lt3A_119 = arith.cmpi slt, %add3A_117, %lt3A_118 : i32
      %convert_element_type3A_120 = arith.extui %lt3A_119 : i1 to i32
      %cond3A_121 = arith.constant 0 : i32
      %cond3A_122 = arith.cmpi ne, %convert_element_type3A_120, %cond3A_121 : i32
      scf.if %cond3A_122 {
        %add3A_152 = arith.constant 2 : i32
        %add3A_153 = arith.addi %add3A_104, %add3A_152 : i32
        %mul3A_154 = arith.constant 16 : i32
        %mul3A_155 = arith.muli %add3A_153, %mul3A_154 : i32
        %add3A_156 = arith.addi %mul3A_2, %mul3A_155 : i32
        %dma_start3A_157 = arith.constant 0 : i32
        %dma_start3A_158 = tpu.memref_slice %arg2[%add3A_156, %dma_start3A_157] : memref<16384x1024xf32, #tpu.memory_space<hbm>> -> memref<16x1024xf32, #tpu.memory_space<hbm>>
        %dma_start3A_159 = arith.constant 0 : i32
        %dma_start3A_160 = tpu.memref_slice %arg2[%add3A_156, %dma_start3A_159] : memref<16384x1024xf32, #tpu.memory_space<hbm>> -> memref<16x1024xf32, #tpu.memory_space<hbm>>
        tpu.enqueue_dma source(%dma_start3A_160 : memref<16x1024xf32, #tpu.memory_space<hbm>>) target(%arg7 : memref<16x1024xf32, #tpu.memory_space<vmem>>) target_semaphore(%arg13 : memref<!tpu.dma_semaphore, #tpu.memory_space<semaphore_mem>>)
        %dma_start3A_161 = arith.constant 0 : i32
        %dma_start3A_162 = tpu.memref_slice %arg4[%add3A_156, %dma_start3A_161] : memref<16384x1024xi32, #tpu.memory_space<hbm>> -> memref<16x1024xi32, #tpu.memory_space<hbm>>
        %dma_start3A_163 = arith.constant 0 : i32
        %dma_start3A_164 = tpu.memref_slice %arg4[%add3A_156, %dma_start3A_163] : memref<16384x1024xi32, #tpu.memory_space<hbm>> -> memref<16x1024xi32, #tpu.memory_space<hbm>>
        tpu.enqueue_dma source(%dma_start3A_164 : memref<16x1024xi32, #tpu.memory_space<hbm>>) target(%arg9 : memref<16x1024xi32, #tpu.memory_space<vmem>>) target_semaphore(%arg15 : memref<!tpu.dma_semaphore, #tpu.memory_space<semaphore_mem>>)
      } else {
      }
      %mul3A_123 = arith.constant 2 : i32
      %mul3A_124 = arith.muli %add3A_95, %mul3A_123 : i32
      %add3A_125 = arith.constant 1 : i32
      %add3A_126 = arith.addi %mul3A_124, %add3A_125 : i32
      %dma_wait3A_127 = arith.constant 0 : i32
      %dma_wait3A_128 = tpu.memref_slice %arg2[%mul3A_2, %dma_wait3A_127] : memref<16384x1024xf32, #tpu.memory_space<hbm>> -> memref<16x1024xf32, #tpu.memory_space<hbm>>
      %dma_wait3A_129 = arith.constant 0 : i32
      %dma_wait3A_130 = tpu.memref_slice %arg2[%mul3A_2, %dma_wait3A_129] : memref<16384x1024xf32, #tpu.memory_space<hbm>> -> memref<16x1024xf32, #tpu.memory_space<hbm>>
      tpu.wait_dma2 semaphore(%arg14 : memref<!tpu.dma_semaphore, #tpu.memory_space<semaphore_mem>>) src(%dma_wait3A_130 : memref<16x1024xf32, #tpu.memory_space<hbm>>) dst(%arg8 : memref<16x1024xf32, #tpu.memory_space<vmem>>)
      %dma_wait3A_131 = arith.constant 0 : i32
      %dma_wait3A_132 = tpu.memref_slice %arg4[%mul3A_2, %dma_wait3A_131] : memref<16384x1024xi32, #tpu.memory_space<hbm>> -> memref<16x1024xi32, #tpu.memory_space<hbm>>
      %dma_wait3A_133 = arith.constant 0 : i32
      %dma_wait3A_134 = tpu.memref_slice %arg4[%mul3A_2, %dma_wait3A_133] : memref<16384x1024xi32, #tpu.memory_space<hbm>> -> memref<16x1024xi32, #tpu.memory_space<hbm>>
      tpu.wait_dma2 semaphore(%arg16 : memref<!tpu.dma_semaphore, #tpu.memory_space<semaphore_mem>>) src(%dma_wait3A_134 : memref<16x1024xi32, #tpu.memory_space<hbm>>) dst(%arg10 : memref<16x1024xi32, #tpu.memory_space<vmem>>)
      %parallel_loop3A_135 = arith.constant 0 : i32
      %parallel_loop3A_136 = arith.constant 256 : i32
      %parallel_loop3A_137 = arith.constant 1 : i32
      scf.for %parallel_loop3A_152 = %parallel_loop3A_135 to %parallel_loop3A_136 step %parallel_loop3A_137  : i32 {
        %parallel_loop3A_153 = arith.constant 64 : i32
        %parallel_loop3A_154 = arith.divsi %parallel_loop3A_152, %parallel_loop3A_153 : i32
        %parallel_loop3A_155 = arith.constant 0 : i32
        %parallel_loop3A_156 = arith.cmpi sgt, %parallel_loop3A_152, %parallel_loop3A_155 : i32
        %parallel_loop3A_157 = arith.extui %parallel_loop3A_156 : i1 to i32
        %parallel_loop3A_158 = arith.constant 0 : i32
        %parallel_loop3A_159 = arith.cmpi slt, %parallel_loop3A_152, %parallel_loop3A_158 : i32
        %parallel_loop3A_160 = arith.extui %parallel_loop3A_159 : i1 to i32
        %parallel_loop3A_161 = arith.subi %parallel_loop3A_157, %parallel_loop3A_160 : i32
        %parallel_loop3A_162 = arith.constant 0 : i32
        %parallel_loop3A_163 = arith.cmpi sgt, %parallel_loop3A_153, %parallel_loop3A_162 : i32
        %parallel_loop3A_164 = arith.extui %parallel_loop3A_163 : i1 to i32
        %parallel_loop3A_165 = arith.constant 0 : i32
        %parallel_loop3A_166 = arith.cmpi slt, %parallel_loop3A_153, %parallel_loop3A_165 : i32
        %parallel_loop3A_167 = arith.extui %parallel_loop3A_166 : i1 to i32
        %parallel_loop3A_168 = arith.subi %parallel_loop3A_164, %parallel_loop3A_167 : i32
        %parallel_loop3A_169 = arith.cmpi ne, %parallel_loop3A_161, %parallel_loop3A_168 : i32
        %parallel_loop3A_170 = arith.remsi %parallel_loop3A_152, %parallel_loop3A_153 : i32
        %parallel_loop3A_171 = arith.constant 0 : i32
        %parallel_loop3A_172 = arith.cmpi ne, %parallel_loop3A_170, %parallel_loop3A_171 : i32
        %parallel_loop3A_173 = arith.andi %parallel_loop3A_169, %parallel_loop3A_172 : i1
        %parallel_loop3A_174 = arith.constant 1 : i32
        %parallel_loop3A_175 = arith.subi %parallel_loop3A_154, %parallel_loop3A_174 : i32
        %parallel_loop3A_176 = arith.select %parallel_loop3A_173, %parallel_loop3A_175, %parallel_loop3A_154 : i32
        %parallel_loop3A_177 = arith.constant 64 : i32
        %parallel_loop3A_178 = arith.constant 0 : i32
        %parallel_loop3A_179 = arith.cmpi eq, %parallel_loop3A_177, %parallel_loop3A_178 : i32
        %parallel_loop3A_180 = arith.constant 1 : i32
        %parallel_loop3A_181 = arith.select %parallel_loop3A_179, %parallel_loop3A_180, %parallel_loop3A_177 : i32
        %parallel_loop3A_182 = arith.remsi %parallel_loop3A_152, %parallel_loop3A_181 : i32
        %parallel_loop3A_183 = arith.constant 0 : i32
        %parallel_loop3A_184 = arith.cmpi ne, %parallel_loop3A_182, %parallel_loop3A_183 : i32
        %parallel_loop3A_185 = arith.constant 0 : i32
        %parallel_loop3A_186 = arith.cmpi slt, %parallel_loop3A_182, %parallel_loop3A_185 : i32
        %parallel_loop3A_187 = arith.constant 0 : i32
        %parallel_loop3A_188 = arith.cmpi slt, %parallel_loop3A_181, %parallel_loop3A_187 : i32
        %parallel_loop3A_189 = arith.xori %parallel_loop3A_186, %parallel_loop3A_188 : i1
        %parallel_loop3A_190 = arith.andi %parallel_loop3A_189, %parallel_loop3A_184 : i1
        %parallel_loop3A_191 = arith.addi %parallel_loop3A_182, %parallel_loop3A_181 : i32
        %parallel_loop3A_192 = arith.select %parallel_loop3A_190, %parallel_loop3A_191, %parallel_loop3A_182 : i32
        %parallel_loop3A_193 = arith.constant 16 : i32
        %parallel_loop3A_194 = arith.muli %parallel_loop3A_192, %parallel_loop3A_193 : i32
        %parallel_loop3A_195 = arith.constant 4 : i32
        %parallel_loop3A_196 = arith.muli %parallel_loop3A_195, %parallel_loop3A_176 : i32
        %parallel_loop3A_197 = arith.constant 0 : i32
        %parallel_loop3A_198 = arith.addi %parallel_loop3A_196, %parallel_loop3A_197 : i32
        %parallel_loop3A_199 = arith.index_cast %parallel_loop3A_198 : i32 to index
        %parallel_loop3A_200 = arith.index_cast %parallel_loop3A_194 : i32 to index
        %parallel_loop3A_201 = tpu.vector_load %arg10[%parallel_loop3A_199, %parallel_loop3A_200] {strides = array<i32>} : memref<16x1024xi32, #tpu.memory_space<vmem>>, vector<16xi32>,
        %parallel_loop3A_202 = tpu.vector_load_idx %arg6[%parallel_loop3A_201] : memref<256xf32, #tpu.memory_space<vmem>>[vector<16xi32>], vector<16xf32>,
        %parallel_loop3A_203 = arith.index_cast %parallel_loop3A_198 : i32 to index
        %parallel_loop3A_204 = arith.index_cast %parallel_loop3A_194 : i32 to index
        %parallel_loop3A_205 = tpu.vector_load %arg8[%parallel_loop3A_203, %parallel_loop3A_204] {strides = array<i32>} : memref<16x1024xf32, #tpu.memory_space<vmem>>, vector<16xf32>,
        %parallel_loop3A_206 = arith.cmpf ogt, %parallel_loop3A_205, %parallel_loop3A_202 : vector<16xf32>
        %parallel_loop3A_207 = arith.constant 1 : i32
        %parallel_loop3A_208 = arith.constant 0 : i32
        %parallel_loop3A_209 = vector.broadcast %parallel_loop3A_207 : i32 to vector<16xi32>
        %parallel_loop3A_210 = vector.broadcast %parallel_loop3A_208 : i32 to vector<16xi32>
        %parallel_loop3A_211 = arith.select %parallel_loop3A_206, %parallel_loop3A_209, %parallel_loop3A_210 : vector<16xi1>, vector<16xi32>
        %parallel_loop3A_212 = arith.constant 4 : i32
        %parallel_loop3A_213 = arith.muli %parallel_loop3A_212, %parallel_loop3A_176 : i32
        %parallel_loop3A_214 = arith.constant 1 : i32
        %parallel_loop3A_215 = arith.addi %parallel_loop3A_213, %parallel_loop3A_214 : i32
        %parallel_loop3A_216 = arith.index_cast %parallel_loop3A_215 : i32 to index
        %parallel_loop3A_217 = arith.index_cast %parallel_loop3A_194 : i32 to index
        %parallel_loop3A_218 = tpu.vector_load %arg10[%parallel_loop3A_216, %parallel_loop3A_217] {strides = array<i32>} : memref<16x1024xi32, #tpu.memory_space<vmem>>, vector<16xi32>,
        %parallel_loop3A_219 = tpu.vector_load_idx %arg6[%parallel_loop3A_218] : memref<256xf32, #tpu.memory_space<vmem>>[vector<16xi32>], vector<16xf32>,
        %parallel_loop3A_220 = arith.index_cast %parallel_loop3A_215 : i32 to index
        %parallel_loop3A_221 = arith.index_cast %parallel_loop3A_194 : i32 to index
        %parallel_loop3A_222 = tpu.vector_load %arg8[%parallel_loop3A_220, %parallel_loop3A_221] {strides = array<i32>} : memref<16x1024xf32, #tpu.memory_space<vmem>>, vector<16xf32>,
        %parallel_loop3A_223 = arith.cmpf ogt, %parallel_loop3A_222, %parallel_loop3A_219 : vector<16xf32>
        %parallel_loop3A_224 = arith.constant 256 : i32
        %parallel_loop3A_225 = arith.constant 0 : i32
        %parallel_loop3A_226 = vector.broadcast %parallel_loop3A_224 : i32 to vector<16xi32>
        %parallel_loop3A_227 = vector.broadcast %parallel_loop3A_225 : i32 to vector<16xi32>
        %parallel_loop3A_228 = arith.select %parallel_loop3A_223, %parallel_loop3A_226, %parallel_loop3A_227 : vector<16xi1>, vector<16xi32>
        %parallel_loop3A_229 = arith.ori %parallel_loop3A_211, %parallel_loop3A_228 : vector<16xi32>
        %parallel_loop3A_230 = arith.constant 4 : i32
        %parallel_loop3A_231 = arith.muli %parallel_loop3A_230, %parallel_loop3A_176 : i32
        %parallel_loop3A_232 = arith.constant 2 : i32
        %parallel_loop3A_233 = arith.addi %parallel_loop3A_231, %parallel_loop3A_232 : i32
        %parallel_loop3A_234 = arith.index_cast %parallel_loop3A_233 : i32 to index
        %parallel_loop3A_235 = arith.index_cast %parallel_loop3A_194 : i32 to index
        %parallel_loop3A_236 = tpu.vector_load %arg10[%parallel_loop3A_234, %parallel_loop3A_235] {strides = array<i32>} : memref<16x1024xi32, #tpu.memory_space<vmem>>, vector<16xi32>,
        %parallel_loop3A_237 = tpu.vector_load_idx %arg6[%parallel_loop3A_236] : memref<256xf32, #tpu.memory_space<vmem>>[vector<16xi32>], vector<16xf32>,
        %parallel_loop3A_238 = arith.index_cast %parallel_loop3A_233 : i32 to index
        %parallel_loop3A_239 = arith.index_cast %parallel_loop3A_194 : i32 to index
        %parallel_loop3A_240 = tpu.vector_load %arg8[%parallel_loop3A_238, %parallel_loop3A_239] {strides = array<i32>} : memref<16x1024xf32, #tpu.memory_space<vmem>>, vector<16xf32>,
        %parallel_loop3A_241 = arith.cmpf ogt, %parallel_loop3A_240, %parallel_loop3A_237 : vector<16xf32>
        %parallel_loop3A_242 = arith.constant 65536 : i32
        %parallel_loop3A_243 = arith.constant 0 : i32
        %parallel_loop3A_244 = vector.broadcast %parallel_loop3A_242 : i32 to vector<16xi32>
        %parallel_loop3A_245 = vector.broadcast %parallel_loop3A_243 : i32 to vector<16xi32>
        %parallel_loop3A_246 = arith.select %parallel_loop3A_241, %parallel_loop3A_244, %parallel_loop3A_245 : vector<16xi1>, vector<16xi32>
        %parallel_loop3A_247 = arith.ori %parallel_loop3A_229, %parallel_loop3A_246 : vector<16xi32>
        %parallel_loop3A_248 = arith.constant 4 : i32
        %parallel_loop3A_249 = arith.muli %parallel_loop3A_248, %parallel_loop3A_176 : i32
        %parallel_loop3A_250 = arith.constant 3 : i32
        %parallel_loop3A_251 = arith.addi %parallel_loop3A_249, %parallel_loop3A_250 : i32
        %parallel_loop3A_252 = arith.index_cast %parallel_loop3A_251 : i32 to index
        %parallel_loop3A_253 = arith.index_cast %parallel_loop3A_194 : i32 to index
        %parallel_loop3A_254 = tpu.vector_load %arg10[%parallel_loop3A_252, %parallel_loop3A_253] {strides = array<i32>} : memref<16x1024xi32, #tpu.memory_space<vmem>>, vector<16xi32>,
        %parallel_loop3A_255 = tpu.vector_load_idx %arg6[%parallel_loop3A_254] : memref<256xf32, #tpu.memory_space<vmem>>[vector<16xi32>], vector<16xf32>,
        %parallel_loop3A_256 = arith.index_cast %parallel_loop3A_251 : i32 to index
        %parallel_loop3A_257 = arith.index_cast %parallel_loop3A_194 : i32 to index
        %parallel_loop3A_258 = tpu.vector_load %arg8[%parallel_loop3A_256, %parallel_loop3A_257] {strides = array<i32>} : memref<16x1024xf32, #tpu.memory_space<vmem>>, vector<16xf32>,
        %parallel_loop3A_259 = arith.cmpf ogt, %parallel_loop3A_258, %parallel_loop3A_255 : vector<16xf32>
        %parallel_loop3A_260 = arith.constant 16777216 : i32
        %parallel_loop3A_261 = arith.constant 0 : i32
        %parallel_loop3A_262 = vector.broadcast %parallel_loop3A_260 : i32 to vector<16xi32>
        %parallel_loop3A_263 = vector.broadcast %parallel_loop3A_261 : i32 to vector<16xi32>
        %parallel_loop3A_264 = arith.select %parallel_loop3A_259, %parallel_loop3A_262, %parallel_loop3A_263 : vector<16xi1>, vector<16xi32>
        %parallel_loop3A_265 = arith.ori %parallel_loop3A_247, %parallel_loop3A_264 : vector<16xi32>
        %parallel_loop3A_266 = arith.constant 4 : i32
        %parallel_loop3A_267 = arith.addi %parallel_loop3A_266, %parallel_loop3A_176 : i32
        %parallel_loop3A_268 = arith.index_cast %parallel_loop3A_267 : i32 to index
        %parallel_loop3A_269 = arith.index_cast %parallel_loop3A_194 : i32 to index
        %parallel_loop3A_270 = tpu.vector_load %arg12[%parallel_loop3A_268, %parallel_loop3A_269] {strides = array<i32>} : memref<8x1024xi32, #tpu.memory_space<vmem>>, vector<16xi32>,
        tpu.vector_store %arg12[%parallel_loop3A_268, %parallel_loop3A_269], %parallel_loop3A_265 {strides = array<i32>} : memref<8x1024xi32, #tpu.memory_space<vmem>>, vector<16xi32>,
      } {sc.loop_unroll_factor = 8 : i64, sc.parallel_access}
      %add3A_138 = arith.constant 2 : i32
      %add3A_139 = arith.addi %add3A_126, %add3A_138 : i32
      %lt3A_140 = arith.constant 32 : i32
      %lt3A_141 = arith.cmpi slt, %add3A_139, %lt3A_140 : i32
      %convert_element_type3A_142 = arith.extui %lt3A_141 : i1 to i32
      %cond3A_143 = arith.constant 0 : i32
      %cond3A_144 = arith.cmpi ne, %convert_element_type3A_142, %cond3A_143 : i32
      scf.if %cond3A_144 {
        %add3A_152 = arith.constant 2 : i32
        %add3A_153 = arith.addi %add3A_126, %add3A_152 : i32
        %mul3A_154 = arith.constant 16 : i32
        %mul3A_155 = arith.muli %add3A_153, %mul3A_154 : i32
        %add3A_156 = arith.addi %mul3A_2, %mul3A_155 : i32
        %dma_start3A_157 = arith.constant 0 : i32
        %dma_start3A_158 = tpu.memref_slice %arg2[%add3A_156, %dma_start3A_157] : memref<16384x1024xf32, #tpu.memory_space<hbm>> -> memref<16x1024xf32, #tpu.memory_space<hbm>>
        %dma_start3A_159 = arith.constant 0 : i32
        %dma_start3A_160 = tpu.memref_slice %arg2[%add3A_156, %dma_start3A_159] : memref<16384x1024xf32, #tpu.memory_space<hbm>> -> memref<16x1024xf32, #tpu.memory_space<hbm>>
        tpu.enqueue_dma source(%dma_start3A_160 : memref<16x1024xf32, #tpu.memory_space<hbm>>) target(%arg8 : memref<16x1024xf32, #tpu.memory_space<vmem>>) target_semaphore(%arg14 : memref<!tpu.dma_semaphore, #tpu.memory_space<semaphore_mem>>)
        %dma_start3A_161 = arith.constant 0 : i32
        %dma_start3A_162 = tpu.memref_slice %arg4[%add3A_156, %dma_start3A_161] : memref<16384x1024xi32, #tpu.memory_space<hbm>> -> memref<16x1024xi32, #tpu.memory_space<hbm>>
        %dma_start3A_163 = arith.constant 0 : i32
        %dma_start3A_164 = tpu.memref_slice %arg4[%add3A_156, %dma_start3A_163] : memref<16384x1024xi32, #tpu.memory_space<hbm>> -> memref<16x1024xi32, #tpu.memory_space<hbm>>
        tpu.enqueue_dma source(%dma_start3A_164 : memref<16x1024xi32, #tpu.memory_space<hbm>>) target(%arg10 : memref<16x1024xi32, #tpu.memory_space<vmem>>) target_semaphore(%arg16 : memref<!tpu.dma_semaphore, #tpu.memory_space<semaphore_mem>>)
      } else {
      }
      %mul3A_145 = arith.constant 8 : i32
      %mul3A_146 = arith.muli %add3A_95, %mul3A_145 : i32
      %add3A_147 = arith.addi %mul3A_4, %mul3A_146 : i32
      %dma_start3A_148 = arith.constant 0 : i32
      %dma_start3A_149 = tpu.memref_slice %arg5[%add3A_147, %dma_start3A_148] : memref<4096x1024xi32, #tpu.memory_space<hbm>> -> memref<8x1024xi32, #tpu.memory_space<hbm>>
      %dma_start3A_150 = arith.constant 0 : i32
      %dma_start3A_151 = tpu.memref_slice %arg5[%add3A_147, %dma_start3A_150] : memref<4096x1024xi32, #tpu.memory_space<hbm>> -> memref<8x1024xi32, #tpu.memory_space<hbm>>
      tpu.enqueue_dma source(%arg12 : memref<8x1024xi32, #tpu.memory_space<vmem>>) target(%dma_start3A_151 : memref<8x1024xi32, #tpu.memory_space<hbm>>) target_semaphore(%arg18 : memref<!tpu.dma_semaphore, #tpu.memory_space<semaphore_mem>>)
    }
    %scan3A_28 = arith.constant 8 : i32
    %dma_wait3A = arith.constant 0 : i32
    %dma_wait3A_29 = tpu.memref_slice %arg5[%mul3A_4, %dma_wait3A] : memref<4096x1024xi32, #tpu.memory_space<hbm>> -> memref<8x1024xi32, #tpu.memory_space<hbm>>
    %dma_wait3A_30 = arith.constant 0 : i32
    %dma_wait3A_31 = tpu.memref_slice %arg5[%mul3A_4, %dma_wait3A_30] : memref<4096x1024xi32, #tpu.memory_space<hbm>> -> memref<8x1024xi32, #tpu.memory_space<hbm>>
    tpu.wait_dma2 semaphore(%arg17 : memref<!tpu.dma_semaphore, #tpu.memory_space<semaphore_mem>>) src(%arg11 : memref<8x1024xi32, #tpu.memory_space<vmem>>) dst(%dma_wait3A_31 : memref<8x1024xi32, #tpu.memory_space<hbm>>)
    %dma_wait3A_32 = arith.constant 0 : i32
    %dma_wait3A_33 = tpu.memref_slice %arg5[%mul3A_4, %dma_wait3A_32] : memref<4096x1024xi32, #tpu.memory_space<hbm>> -> memref<8x1024xi32, #tpu.memory_space<hbm>>
    %dma_wait3A_34 = arith.constant 0 : i32
    %dma_wait3A_35 = tpu.memref_slice %arg5[%mul3A_4, %dma_wait3A_34] : memref<4096x1024xi32, #tpu.memory_space<hbm>> -> memref<8x1024xi32, #tpu.memory_space<hbm>>
    tpu.wait_dma2 semaphore(%arg18 : memref<!tpu.dma_semaphore, #tpu.memory_space<semaphore_mem>>) src(%arg12 : memref<8x1024xi32, #tpu.memory_space<vmem>>) dst(%dma_wait3A_35 : memref<8x1024xi32, #tpu.memory_space<hbm>>)
    return
  }
}

module attributes {stable_mosaic.version = 14 : i64} {
  func.func @_unpack_body(%arg0: i32, %arg1: memref<512x1024xi32, #tpu.memory_space<vmem>>, %arg2: memref<2048x1024xi8, #tpu.memory_space<vmem>>) attributes {dimension_semantics = [#tpu.dimension_semantics<arbitrary>], iteration_bounds = array<i64: 8>, scalar_prefetch = 0 : i64, scratch_operands = 0 : i64, tpu.core_type = #tpu.core_type<tc>, window_params = [{transform_indices = @transform_0, window_bounds = array<i64: 512, 1024>}, {transform_indices = @transform_1, window_bounds = array<i64: 2048, 1024>}]} {
    %get3A = arith.constant 0 : index
    %get3A_0 = arith.constant 0 : index
    %get3A_1 = vector.load %arg1[%get3A, %get3A_0] : memref<512x1024xi32, #tpu.memory_space<vmem>>, vector<512x1024xi32>
    %bitcast3A = tpu.bitcast %get3A_1 : vector<512x1024xi32> -> vector<2048x1024xi8>
    %swap3A = arith.constant 0 : index
    %swap3A_2 = arith.constant 0 : index
    %swap3A_3 = vector.load %arg2[%swap3A, %swap3A_2] : memref<2048x1024xi8, #tpu.memory_space<vmem>>, vector<2048x1024xi8>
    tpu.vector_store %arg2[%swap3A, %swap3A_2], %bitcast3A {strides = array<i32>} : memref<2048x1024xi8, #tpu.memory_space<vmem>>, vector<2048x1024xi8>,
    return
  }
  func.func @transform_0(%arg0: i32) -> (i32, i32) {
    %c0_i32 = arith.constant 0 : i32
    %c0_i32_0 = arith.constant 0 : i32
    return %arg0, %c0_i32 : i32, i32
  }
  func.func @transform_1(%arg0: i32) -> (i32, i32) {
    %c0_i32 = arith.constant 0 : i32
    %c0_i32_0 = arith.constant 0 : i32
    return %arg0, %c0_i32 : i32, i32
  }
}

</mosaic_0001>

<sc_bundles>
// kernel: kernel.4.cloned.1.call-start
scs
__scs_entry_jumppad:
0x0: {  	(pc) =	sbr.rel $0x88, $3  }
0x1: {  	(tag) =	ssettag $0x0;
	lr =	simm.s32 $0x1  }
0x2: {  	[smem:$0x3F9E] =	sst lr;
	_ =	strace $0xD0000000  }
0x3: {  	_ = 	snop  }
0x4: {  	_ = 	snop  }
0x5: {  	_ = 	snop  }
0x6: {  	_ = 	snop  }
0x7: {  	_ = 	snop  }
__scs_overlays_trampoline_lowered:
0x8: {  	[smem:$0x3FAD] =	sst s0  }
0x9: {  	[smem:$0x3FAE] =	sst s1  }
0xa: {  	[smem:$0x3FAF] =	sst s2  }
0xb: {  	[smem:$0x3FB0] =	sst s3  }
0xc: {  	[smem:$0x3FB1] =	sst s4  }
0xd: {  	[smem:$0x3FB2] =	sst s5  }
0xe: {  	[smem:$0x3FB3] =	sst s6  }
0xf: {  	[smem:$0x3FB4] =	sst s7  }
0x10: {  	[smem:$0x3FB5] =	sst s8  }
0x11: {  	[smem:$0x3FB6] =	sst s9;
	s0 =	simm.s32 @!p0 $0x0  }
0x12: {  	s1 =	sld [smem:$0x3F9C];
	s0 =	simm.s32 @p0 $0x1  }
0x13: {  	[smem:$0x3FB7] =	sst s0;
	s0 =	simm.s32 @!p1 $0x0  }
0x14: {  	s2 =	sld [smem:$0x3F9B];
	s0 =	simm.s32 @p1 $0x1  }
0x15: {  	[smem:$0x3FB8] =	sst s0;
	s0 =	simm.s32 @!p2 $0x0  }
0x16: {  	s3 =	sld [smem:$0x3FDB];
	s0 =	simm.s32 @p2 $0x1  }
0x17: {  	s4 =	simm.s32 $0x1BF5;
	[smem:$0x3FBA] =	sst s0  }
0x18: {  	s0 =	sld [smem:$0x3F9D];
	_ =	swait.ge [sflag:s4], $0x0  }
0x19: {  	s7 =	sld [smem:$0x3F9E]  }
0x1a: {  	s8 =	sadd.s32 $0xFFFFE003, lr  }
0x1b: {  	s9 =	sadd.s32 $0xFFFFFEF7, lr;
	s5 =	simm.s32 $0xFFFFFFFF;
	p2 =	slt.u32 s8, $0xFFFFF086  }
0x1c: {  	p1 =	slt.u32 s9, $0xF7A;
	s5 =	simm.s32 @!p2 $0x0  }
0x1d: {  	s5 =	simm.s32 @p1 $0x1;
	p0 =	seq.s32 s7, s2  }
0x1e: {  	s7 =	smul.u32 @!p0 $0xF7A, s2;
	p2 =	seq.s32 @!p0 s5, $0x0  }
0x1f: {  	s9 =	smul.u32 $0xF7A, s1;
	s8 =	simm.s32 @!p0 $0x1BF5;
	p2 =	por !p2, p0  }
0x20: {  	[sflag:s8] =	ssyncset.s32 @!p0 $0xFFFFF086;
	s6 =	sadd.s32 @!p0 s3, s7;
	s7 =	simm.s32 @!p0 $0x108  }
0x21: {  	s3 =	sadd.s32 s3, s9;
	s6 =	sadd.s32 @!p0 $0x88, s6;
	s7 =	simm.s32 @p2 $0x1082  }
0x22: {  	[simem:s7], [sflag:s8] =	dma.local @!p0 [hbm:s6], $0xF7A  }
0x23: {  	s9 =	sor.u32 $0xD0000000, s2;
	s6 =	simm.s32 $0x108;
	_ =	swait.ge @!p0 [sflag:s8], $0x0  }
0x24: {  	s3 =	sadd.s32 $0x88, s3;
	s6 =	simm.s32 @!p1 $0x1082;
	[sflag:s4] =	ssyncset.s32 $0xFFFFF086  }
0x25: {  	[simem:s6], [sflag:s4] =	dma.local [hbm:s3], $0xF7A  }
0x26: {  	[smem:$0x3F9E] =	sst s1;
	(tag) =	ssettag s2;
	_ =	strace s9  }
0x27: {  	s1 =	sld [smem:$0x3FAE]  }
0x28: {  	s2 =	sld [smem:$0x3FAF]  }
0x29: {  	s4 =	sld [smem:$0x3FB1]  }
0x2a: {  	p0 =	seq.s32 s5, $0x0;
	s5 =	sld [smem:$0x3FB2]  }
0x2b: {  	s6 =	sld [smem:$0x3FB3]  }
0x2c: {  	s7 =	sld [smem:$0x3FB4]  }
0x2d: {  	s3 =	simm.s32 $0x108;
	s8 =	sld [smem:$0x3FB5]  }
0x2e: {  	s3 =	simm.s32 @!p0 $0x1082;
	s9 =	sld [smem:$0x3FB6]  }
0x2f: {  	lr =	sadd.s32 s0, s3;
	s0 =	sld [smem:$0x3FAD]  }
0x30: {  	s3 =	sld [smem:$0x3FB0]  }
0x31: {  	[smem:$0x3FB9] =	sst s10  }
0x32: {  	s10 =	sld [smem:$0x3FB7];
	_ =	sdelay $0x3  }
0x33: {  	p0 =	seq.s32 s10, $0x1;
	s10 =	sld [smem:$0x3FB9];
	_ =	sdelay $0x3  }
0x34: {  	[smem:$0x3FB9] =	sst s10  }
0x35: {  	s10 =	sld [smem:$0x3FB8];
	_ =	sdelay $0x3  }
0x36: {  	p1 =	seq.s32 s10, $0x1;
	s10 =	sld [smem:$0x3FB9];
	_ =	sdelay $0x3  }
0x37: {  	[smem:$0x3FB9] =	sst s10  }
0x38: {  	s10 =	sld [smem:$0x3FBA]  }
0x39: {  	_ = 	snop;
	(pc) =	sbr.ind lr, $3  }
0x3a: {  	_ = 	snop  }
0x3b: {  	_ = 	snop  }
0x3c: {  	p2 =	seq.s32 s10, $0x1;
	s10 =	sld [smem:$0x3FB9]  }
0x3d: {  	_ =	shalt  }
0x3e: {  	_ =	shalt  }
0x3f: {  	_ =	shalt  }
0x40: {  	_ =	shalt  }
0x41: {  	_ =	shalt  }
0x42: {  	_ =	shalt  }
0x43: {  	_ =	shalt  }
0x44: {  	_ =	shalt  }
0x45: {  	_ =	shalt  }
0x46: {  	_ =	shalt  }
0x47: {  	_ =	shalt  }
0x48: {  	_ =	shalt  }
0x49: {  	_ =	shalt  }
0x4a: {  	_ =	shalt  }
0x4b: {  	_ =	shalt  }
0x4c: {  	_ =	shalt  }
0x4d: {  	_ =	shalt  }
0x4e: {  	_ =	shalt  }
0x4f: {  	_ =	shalt  }
0x50: {  	_ =	shalt  }
0x51: {  	_ =	shalt  }
0x52: {  	_ =	shalt  }
0x53: {  	_ =	shalt  }
0x54: {  	_ =	shalt  }
0x55: {  	_ =	shalt  }
0x56: {  	_ =	shalt  }
0x57: {  	_ =	shalt  }
0x58: {  	_ =	shalt  }
0x59: {  	_ =	shalt  }
0x5a: {  	_ =	shalt  }
0x5b: {  	_ =	shalt  }
0x5c: {  	_ =	shalt  }
0x5d: {  	_ =	shalt  }
0x5e: {  	_ =	shalt  }
0x5f: {  	_ =	shalt  }
0x60: {  	_ =	shalt  }
0x61: {  	_ =	shalt  }
0x62: {  	_ =	shalt  }
0x63: {  	_ =	shalt  }
0x64: {  	_ =	shalt  }
0x65: {  	_ =	shalt  }
0x66: {  	_ =	shalt  }
0x67: {  	_ =	shalt  }
0x68: {  	_ =	shalt  }
0x69: {  	_ =	shalt  }
0x6a: {  	_ =	shalt  }
0x6b: {  	_ =	shalt  }
0x6c: {  	_ =	shalt  }
0x6d: {  	_ =	shalt  }
0x6e: {  	_ =	shalt  }
0x6f: {  	_ =	shalt  }
0x70: {  	_ =	shalt  }
0x71: {  	_ =	shalt  }
0x72: {  	_ =	shalt  }
0x73: {  	_ =	shalt  }
0x74: {  	_ =	shalt  }
0x75: {  	_ =	shalt  }
0x76: {  	_ =	shalt  }
0x77: {  	_ =	shalt  }
0x78: {  	_ =	shalt  }
0x79: {  	_ =	shalt  }
0x7a: {  	_ =	shalt  }
0x7b: {  	_ =	shalt  }
0x7c: {  	_ =	shalt  }
0x7d: {  	_ =	shalt  }
0x7e: {  	_ =	shalt  }
0x7f: {  	_ =	shalt  }
0x80: {  	_ =	shalt  }
0x81: {  	_ =	shalt  }
0x82: {  	_ =	shalt  }
0x83: {  	_ =	shalt  }
0x84: {  	_ =	shalt  }
0x85: {  	_ =	shalt  }
0x86: {  	_ =	shalt  }
0x87: {  	_ =	shalt  }
.Lfunc_end0:
.L_simem_size_0:
called_computation_lowered:
.L_overlay_start_0:
0x88: {  	s2 =	sld [smem:$0x3FD9]  }
0x89: {  	s3 =	sld [smem:$0x3FFE];
	_ =	sdelay $0x1  }
0x8a: {  	s1 =	srdreg.scid  }
0x8b: {  	s0 =	sand.u32 $0x1, s1  }
0x8c: {  	s18 =	sshll.u32 s0, $0xA;
	s2 =	sadd.s32 s3, s2  }
0x8d: {  	s2 =	sadd.s32 s2, s18  }
0x8e: {  	[smem:$0x3FC5] =	sst s2  }
0x8f: {  	_ = 	snop  }
0x90: {  	s2 =	sld [smem:$0x3FC9]  }
0x91: {  	s19 =	sld [smem:$0x3FC8]  }
0x92: {  	s4 =	sld [smem:$0x3FC7]  }
0x93: {  	s5 =	sld [smem:$0x3FD0];
	(tm) =	ssettm $0x1  }
0x94: {  	s6 =	sld [smem:$0x3FFB];
	_ =	sdelay $0x3  }
0x95: {  	_ =	strace s6  }
0x96: {  	s6 =	sld [smem:$0x3FFC];
	_ =	sdelay $0x3  }
0x97: {  	_ =	strace s6  }
0x98: {  	s6 =	sld [smem:$0x3FFD];
	_ =	sdelay $0x3  }
0x99: {  	_ =	strace s6  }
0x9a: {  	_ =	strace $0x8FFFFFFF  }
0x9b: {  	s20 =	sld [smem:$0x3FDB];
	_ =	sdelay $0x1  }
0x9c: {  	s7 =	simm.s32 $_scs_section_size  }
0x9d: {  	s8 =	simm.s32 $_size__tile_overlayer_lowered;
	s9 =	simm.s32 $_tile_overlayer_lowered  }
0x9e: {  	s23 =	simm.s32 $0x1BFF;
	s22 =	sshll.u32 s9, $0x1;
	s6 =	sadd.s32 s7, s20  }
0x9f: {  	s10 =	simm.s32 $0x0;
	s21 =	sshll.u32 s8, $0x1;
	s8 =	sadd.s32 s22, s6  }
0xa0: {  	[timem:s10], [sflag:s23] =	dma.local [hbm:s8], s21  }
0xa1: {  	_ =	swait.ge [sflag:s23], s21  }
0xa2: {  	s7 =	ssub.s32 $0x0, s21;
	[sflag:s23] =	ssyncset.done $0x0  }
0xa3: {  	[sflag:s23] =	ssyncadd.s32 s7;
	_ =	sdelay $0x1  }
0xa4: {  	s24 =	simm.s32 $0x1B8B  }
0xa5: {  	_ =	swait.ge [sflag:s24], $0x1  }
0xa6: {  	[sflag:s24] =	ssyncset.done $0x0  }
0xa7: {  	s25 =	simm.s32 $0x1B8E;
	[sflag:s24] =	ssyncadd.s32 $0xFFFFFFFF  }
0xa8: {  	s26 =	simm.s32 $execute0_lowered;
	[smem:$0x3FD2] =	sst s25  }
0xa9: {  	s7 =	sshll.u32 s26, $0x1;
	_ =	strace $0x80000046;
	[dreg:$0x1] =	wrdreg $0xFFFFFFFF  }
0xaa: {  	s28 =	simm.s32 $_size_execute0_lowered;
	s6 =	sadd.s32 s6, s7;
	[dreg:$0x0] =	wrdreg $0x0  }
0xab: {  	s7 =	sshll.u32 s28, $0x1;
	[dreg:$0x2] =	wrdreg s6  }
0xac: {  	[dreg:$0x3] =	wrdreg s7  }
0xad: {  	[dreg:$0x4] =	wrdreg $0xC0  }
0xae: {  	_ =	task [dreg:s10], $0x5FFFF  }
0xaf: {  	[dreg:$0x1] =	wrdreg $0xFFFFFFFF  }
0xb0: {  	[dreg:$0x0] =	wrdreg $0x60  }
0xb1: {  	[dreg:$0x2] =	wrdreg s2  }
0xb2: {  	[dreg:$0x3] =	wrdreg s19  }
0xb3: {  	[dreg:$0x4] =	wrdreg s4  }
0xb4: {  	[dreg:$0x5] =	wrdreg s5  }
0xb5: {  	[dreg:$0x6] =	wrdreg $0x9  }
0xb6: {  	_ =	task.clear_ibuf [dreg:s10], $0x7FFFF;
	_ =	strace $0x90000046  }
0xb7: {  	s29 =	simm.s32 $0x9;
	_ =	strace $0x80000048  }
0xb8: {  	_ =	swait.ge [sflag:s29], $0x1  }
0xb9: {  	[sflag:s29] =	ssyncadd.s32 $0xFFFFFFFF  }
0xba: {  	_ =	strace $0x90000048  }
0xbb: {  	_ =	sfence  }
0xbc: {  	s30 =	sld [smem:$0x0];
	_ =	sdelay $0x2  }
0xbd: {  	s31 =	sshll.u32 s1, $0xD;
	s1 =	sshrl.u32 s1, $0x2  }
0xbe: {  	s3 =	sand.u32 $0x4000, s31;
	s1 =	sadd.s32 s1, s30  }
0xbf: {  	s0 =	sor.u32 s3, s0;
	s1 =	sshll.u32 s1, $0x11  }
0xc0: {  	s0 =	sor.u32 s1, s0  }
0xc1: {  	s0 =	sadd.s32 $0x8F2B, s0  }
0xc2: {  	[sflag:s0] =	ssyncadd.remote.s32 $0x1  }
0xc3: {  	_ =	sfence.sel $0xFFFF  }
0xc4: {  	[dreg:$0x0] =	wrdreg $0xFFFFFFFF;
	(pc) =	sbr.abs _section_cstart, $3  }
0xc5: {  	[dreg:$0x1] =	wrdreg $0xFFFFFFFF  }
0xc6: {  	_ =	task.clear_ibuf [dreg:s10], $0x2FFFF;
	_ =	strace $0x9FFFFFFF  }
0xc7: {  	(tm) =	ssettm $0x7FFFFFFF  }
tec
execute0_lowered:
.L_overlay_start_1:
0x0: {  	(tag) =	ssettag $0x1  }
0x1: {  	s1 =	rddreg [dreg:$0x0]  }
0x2: {  	s4 =	rddreg [dreg:$0x2]  }
0x3: {  	s0 =	rddreg [dreg:$0x3];
	s2 =	srdreg.scid  }
0x4: {  	s6 =	stileid.u32;
	s5 =	simm.s32 $0x0;
	s16 =	simm.s32 $0x100  }
0x5: {  	s17 =	simm.s32 $0x8100;
	s18 =	simm.s32 $0x4100;
	s19 =	simm.s32 $0xC100  }
0x6: {  	s20 =	simm.s32 $0x1;
	s21 =	simm.s32 $0x3;
	s22 =	simm.s32 $0x2  }
0x7: {  	s23 =	simm.s32 $0x4;
	s24 =	simm.s32 $0x10100;
	s28 =	simm.s32 $0x6  }
0x8: {  	s29 =	simm.s32 $0x0;
	s2 =	sand.u32 $0x1, s2;
	s6 =	sshll.u32 s6, $0x1  }
0x9: {  	[smem:$0x7FF] =	sst s5;
	s3 =	ssub.s32 $0x2, s2;
	s2 =	sor.u32 s2, s6  }
0xa: {  	_ =	strace $0x80000047;
	s7 =	sshrl.u32 s3, $0x1;
	s6 =	sshll.u32 s2, $0x10  }
0xb: {  	s2 =	sshll.u32 s2, $0xE;
	s3 =	ssub.s32 s3, s7;
	s25 =	sadd.s32 s1, s6  }
0xc: {  	s26 =	sadd.s32 s4, s6;
	s30 =	sor.u32 $0x800, s6;
	[dreg:$0x5] =	wrdreg s25  }
0xd: {  	s11 =	sadd.s32 s0, s2;
	[dreg:$0x6] =	wrdreg s26;
	s8 =	sadd.s32 s1, s30  }
0xe: {  	s12 =	sor.u32 $0x1000, s6;
	s7 =	sadd.s32 s4, s30;
	[dreg:$0x7] =	wrdreg s8  }
0xf: {  	s13 =	sor.u32 $0x1800, s6;
	s31 =	smax.u32 s3, $0x1;
	[dreg:$0x8] =	wrdreg s7  }
0x10: {  	v0 =	vimm.s32 $0x0;
	s25 =	simm.s32 $0x12100;
	s26 =	simm.s32 $0x5;
	[dreg:$0x9] =	wrdreg s31  }
.LBB2_1:
0x11: {  	s0 =	rddreg [dreg:$0x1];
	s9 =	simm.s32 $0x7  }
0x12: {  	[tilespmem:s5], [sflag:$0x7] =	stream.linear.gather [hbm4b:s0+s5], $0x100, $0x38;
	[tilespmem:$0x14100] =	vst v63  }
0x13: {  	_ =	swait.ge [sflag:s9], $0x100  }
0x14: {  	[sflag:s9] =	ssyncset.done $0x0  }
0x15: {  	s10 =	rddreg [dreg:$0x5];
	[sflag:s9] =	ssyncadd.s32 $0xFFFFFF00  }
0x16: {  	[tilespmem:s16], [sflag:$0x1] =	stream.linear.gather [hbm4b:s10+s5], $0x4000, $0x38;
	[tilespmem:$0x14100] =	vst v63  }
0x17: {  	s14 =	rddreg [dreg:$0x6]  }
0x18: {  	[tilespmem:s17], [sflag:$0x3] =	stream.linear.gather [hbm4b:s14+s5], $0x4000, $0x38;
	[tilespmem:$0x14100] =	vst v63  }
0x19: {  	s15 =	rddreg [dreg:$0x7]  }
0x1a: {  	[tilespmem:s18], [sflag:$0x2] =	stream.linear.gather [hbm4b:s15+s5], $0x4000, $0x38;
	[tilespmem:$0x14100] =	vst v63  }
0x1b: {  	s30 =	simm.s32 $0x0;
	s31 =	rddreg [dreg:$0x8]  }
0x1c: {  	[tilespmem:s19], [sflag:$0x4] =	stream.linear.gather [hbm4b:s31+s5], $0x4000, $0x38;
	[tilespmem:$0x14100] =	vst v63  }
.LBB2_2:
0x1d: {  	p0 =	seq.s32 s30, $0x0  }
0x1e: {  	s0 =	simm.s32 @!p0 $0x5  }
0x1f: {  	_ =	swait.ge @!p0 [sflag:s0], $0x2000  }
0x20: {  	[sflag:s0] =	ssyncset.done @!p0 $0x0  }
0x21: {  	[sflag:s0] =	ssyncadd.s32 @!p0 $0xFFFFE000  }
0x22: {  	_ =	swait.ge [sflag:s20], $0x4000  }
0x23: {  	s10 =	simm.s32 $0x0;
	[sflag:s20] =	ssyncset.done $0x0  }
0x24: {  	s2 =	simm.s32 $0x0;
	s3 =	simm.s32 $0x0;
	[sflag:s20] =	ssyncadd.s32 $0xFFFFC000  }
0x25: {  	s7 =	sand.u32 $0x2000, s2;
	s0 =	sand.u32 $0x200, s10;
	_ =	swait.ge [sflag:s21], $0x4000  }
0x26: {  	s14 =	sand.u32 $0x1C00, s3;
	s0 =	sor.u32 s7, s0;
	[sflag:s21] =	ssyncset.done $0x0  }
0x27: {  	s0 =	sor.u32 s14, s0;
	[sflag:s21] =	ssyncadd.s32 $0xFFFFC000  }
0x28: {  	v1 =	vld [tilespmem:s0+$0x8170]  }
0x29: {  	v2 =	vld [tilespmem:s0+$0x81F0]  }
0x2a: {  	v3 =	vld [tilespmem:s0+$0x8270]  }
0x2b: {  	v4 =	vld [tilespmem:s0+$0x82F0]  }
0x2c: {  	v5 =	vld [tilespmem:s0+$0x8100]  }
0x2d: {  	v6 =	vld [tilespmem:s0+$0x270]  }
0x2e: {  	v7 =	vld [tilespmem:s0+$0x170]  }
0x2f: {  	v8 =	vld [tilespmem:s0+$0x1F0]  }
0x30: {  	v9 =	vld [tilespmem:s0+$0x2F0]  }
0x31: {  	v10 =	vld [tilespmem:s0+$0x8180]  }
0x32: {  	v11 =	vld [tilespmem:s0+$0x8110]  }
0x33: {  	v12 =	vld [tilespmem:s0+$0x8190]  }
0x34: {  	v13 =	vld [tilespmem:s0+$0x8120]  }
0x35: {  	v14 =	vld [tilespmem:s0+$0x81A0]  }
0x36: {  	v15 =	vld [tilespmem:s0+$0x8130]  }
0x37: {  	v16 =	vld [tilespmem:s0+$0x81B0]  }
0x38: {  	v17 =	vld [tilespmem:s0+$0x8140]  }
0x39: {  	v18 =	vld [tilespmem:s0+$0x81C0]  }
0x3a: {  	v19 =	vld [tilespmem:s0+$0x8150]  }
0x3b: {  	v20 =	vld [tilespmem:s0+$0x81D0]  }
0x3c: {  	v21 =	vld [tilespmem:s0+$0x8160]  }
0x3d: {  	v22 =	vld [tilespmem:s0+$0x81E0]  }
0x3e: {  	v23 =	vld [tilespmem:s0+$0x8200]  }
0x3f: {  	v24 =	vld [tilespmem:s0+$0x8210]  }
0x40: {  	v25 =	vld [tilespmem:s0+$0x8220]  }
0x41: {  	v26 =	vld [tilespmem:s0+$0x8230]  }
0x42: {  	v27 =	vld [tilespmem:s0+$0x8240]  }
0x43: {  	v28 =	vld [tilespmem:s0+$0x8250]  }
0x44: {  	v29 =	vld [tilespmem:s0+$0x8260]  }
0x45: {  	v30 =	vld [tilespmem:s0+$0x8280]  }
0x46: {  	v31 =	vld [tilespmem:s0+$0x8290]  }
0x47: {  	v32 =	vld [tilespmem:s0+$0x82A0]  }
0x48: {  	v33 =	vld [tilespmem:s0+$0x82B0]  }
0x49: {  	v34 =	vld [tilespmem:s0+$0x82C0]  }
0x4a: {  	v35 =	vld [tilespmem:s0+$0x82D0]  }
0x4b: {  	v36 =	vld [tilespmem:s0+$0x82E0]  }
0x4c: {  	v37 =	vld [tilespmem:s0+$0x100]  }
0x4d: {  	v38 =	vld [tilespmem:s0+$0x180]  }
0x4e: {  	v39 =	vld [tilespmem:s0+$0x110]  }
0x4f: {  	v40 =	vld [tilespmem:s0+$0x190]  }
0x50: {  	v41 =	vld [tilespmem:s0+$0x120]  }
0x51: {  	v42 =	vld [tilespmem:s0+$0x1A0]  }
0x52: {  	v43 =	vld [tilespmem:s0+$0x130]  }
0x53: {  	v44 =	vld [tilespmem:s0+$0x1B0]  }
0x54: {  	v45 =	vld [tilespmem:s0+$0x140]  }
0x55: {  	v46 =	vld [tilespmem:s0+$0x1C0]  }
0x56: {  	v47 =	vld [tilespmem:s0+$0x150]  }
0x57: {  	v48 =	vld [tilespmem:s0+$0x1D0]  }
0x58: {  	v49 =	vld [tilespmem:s0+$0x160]  }
0x59: {  	v50 =	vld [tilespmem:s0+$0x1E0]  }
0x5a: {  	v62 =	vld [tilespmem:s0+$0x260]  }
0x5b: {  	v1 =	vld.idx.msk [tilespmem:v1+s5+$0x0], $0xffff  }
0x5c: {  	v2 =	vld.idx.msk [tilespmem:v2+s5+$0x0], $0xffff  }
0x5d: {  	v3 =	vld.idx.msk [tilespmem:v3+s5+$0x0], $0xffff  }
0x5e: {  	v4 =	vld.idx.msk [tilespmem:v4+s5+$0x0], $0xffff  }
0x5f: {  	v5 =	vld.idx.msk [tilespmem:v5+s5+$0x0], $0xffff  }
0x60: {  	v10 =	vld.idx.msk [tilespmem:v10+s5+$0x0], $0xffff  }
0x61: {  	v11 =	vld.idx.msk [tilespmem:v11+s5+$0x0], $0xffff  }
0x62: {  	v12 =	vld.idx.msk [tilespmem:v12+s5+$0x0], $0xffff  }
0x63: {  	v13 =	vld.idx.msk [tilespmem:v13+s5+$0x0], $0xffff  }
0x64: {  	v14 =	vld.idx.msk [tilespmem:v14+s5+$0x0], $0xffff  }
0x65: {  	v15 =	vld.idx.msk [tilespmem:v15+s5+$0x0], $0xffff  }
0x66: {  	v16 =	vld.idx.msk [tilespmem:v16+s5+$0x0], $0xffff  }
0x67: {  	v17 =	vld.idx.msk [tilespmem:v17+s5+$0x0], $0xffff  }
0x68: {  	v18 =	vld.idx.msk [tilespmem:v18+s5+$0x0], $0xffff  }
0x69: {  	v19 =	vld.idx.msk [tilespmem:v19+s5+$0x0], $0xffff  }
0x6a: {  	v20 =	vld.idx.msk [tilespmem:v20+s5+$0x0], $0xffff  }
0x6b: {  	v21 =	vld.idx.msk [tilespmem:v21+s5+$0x0], $0xffff  }
0x6c: {  	v22 =	vld.idx.msk [tilespmem:v22+s5+$0x0], $0xffff;
	vm0 =	vgt.f32 v7, v1  }
0x6d: {  	v59 =	vld.idx.msk [tilespmem:v28+s5+$0x0], $0xffff;
	vm1 =	vgt.f32 v8, v2;
	vm5 =	vgt.f32 v6, v3;
	vm6 =	vgt.f32 v9, v4  }
0x6e: {  	v1 =	vld.idx.msk [tilespmem:v23+s5+$0x0], $0xffff;
	vm7 =	vgt.f32 v37, v5;
	vm8 =	vgt.f32 v38, v10;
	vm9 =	vgt.f32 v39, v11  }
0x6f: {  	v3 =	vld.idx.msk [tilespmem:v24+s5+$0x0], $0xffff;
	vm10 =	vgt.f32 v40, v12;
	vm11 =	vgt.f32 v41, v13;
	vm12 =	vgt.f32 v42, v14  }
0x70: {  	v7 =	vld.idx.msk [tilespmem:v25+s5+$0x0], $0xffff;
	vm13 =	vgt.f32 v43, v15;
	vm14 =	vgt.f32 v44, v16;
	vm15 =	vgt.f32 v45, v17  }
0x71: {  	v9 =	vld.idx.msk [tilespmem:v26+s5+$0x0], $0xffff;
	vm4 =	vgt.f32 v46, v18;
	v2 =	vsel vm0, $0x1, v0;
	v6 =	vsel vm1, $0x100, v0  }
0x72: {  	v10 =	vld.idx.msk [tilespmem:v27+s5+$0x0], $0xffff;
	v4 =	vsel vm5, $0x10000, v0;
	v5 =	vsel vm6, $0x1000000, v0;
	v8 =	vsel vm7, $0x1, v0  }
0x73: {  	v13 =	vld.idx.msk [tilespmem:v29+s5+$0x0], $0xffff;
	v11 =	vsel vm11, $0x1, v0;
	v12 =	vsel vm12, $0x100, v0;
	vm5 =	vgt.f32 v47, v19  }
0x74: {  	v15 =	vld [tilespmem:s0+$0x210];
	vm6 =	vgt.f32 v48, v20;
	vm7 =	vgt.f32 v49, v21;
	v2 =	vor.u32 v2, v6  }
0x75: {  	v16 =	vld [tilespmem:s0+$0x230];
	v6 =	vsel vm8, $0x100, v0;
	v60 =	vor.u32 v11, v12;
	v11 =	vsel vm13, $0x1, v0  }
0x76: {  	v18 =	vld [tilespmem:s0+$0x240];
	v12 =	vsel vm14, $0x100, v0;
	vm8 =	vgt.f32 v50, v22;
	v2 =	vor.u32 v4, v2  }
0x77: {  	v14 =	vld.idx.msk [tilespmem:v31+s5+$0x0], $0xffff;
	v4 =	vsel vm9, $0x1, v0;
	v17 =	vor.u32 v11, v12;
	v11 =	vsel vm15, $0x1, v0  }
0x78: {  	v19 =	vld [tilespmem:s0+$0x250];
	v12 =	vsel vm4, $0x100, v0;
	v22 =	vsel vm8, $0x100, v0;
	v2 =	vor.u32 v5, v2  }
0x79: {  	v5 =	vor.u32 v8, v6;
	v6 =	vsel vm10, $0x100, v0;
	v8 =	vld [tilespmem:s0+$0x200];
	v61 =	vor.u32 v11, v12  }
0x7a: {  	v11 =	vsel vm5, $0x1, v0;
	v12 =	vsel vm6, $0x100, v0;
	v6 =	vor.u32 v4, v6;
	v4 =	vld [tilespmem:s0+$0x220]  }
0x7b: {  	v63 =	vor.u32 v11, v12;
	v11 =	vld.idx.msk [tilespmem:v30+s5+$0x0], $0xffff;
	v12 =	vsel vm7, $0x1, v0;
	vm10 =	vgt.f32 v15, v3  }
0x7c: {  	vm12 =	vgt.f32 v16, v9;
	vm13 =	vgt.f32 v18, v10;
	v10 =	vld.idx.msk [tilespmem:v35+s5+$0x0], $0xffff;
	vm15 =	vgt.f32 v62, v13  }
0x7d: {  	s15 =	simm.s32 $0x0;
	v15 =	vld [tilespmem:s0+$0x280];
	v22 =	vor.u32 v12, v22;
	v3 =	vsel vm12, $0x10000, v0;
	v16 =	vsel vm13, $0x10000, v0  }
0x7e: {  	s7 =	sand.u32 $0x3FFFFF80, s15;
	v12 =	vld.idx.msk [tilespmem:v32+s5+$0x0], $0xffff;
	vm14 =	vgt.f32 v19, v59;
	v9 =	vor.u32 v3, v17;
	vm9 =	vgt.f32 v8, v1  }
0x7f: {  	s8 =	sadd.s32 s14, s7;
	v3 =	vsel vm14, $0x10000, v0;
	v13 =	vor.u32 v16, v61;
	v16 =	vld [tilespmem:s0+$0x290];
	v1 =	vsel vm9, $0x10000, v0  }
0x80: {  	s2 =	sadd.s32 $0x10100, s8;
	vm11 =	vgt.f32 v4, v7;
	v4 =	vld.idx.msk [tilespmem:v33+s5+$0x0], $0xffff;
	v8 =	vor.u32 v1, v5;
	v1 =	vsel vm10, $0x10000, v0  }
0x81: {  	[tilespmem:s2+$0x70] =	vst v2;
	v17 =	vsel vm15, $0x10000, v0;
	v5 =	vld.idx.msk [tilespmem:v34+s5+$0x0], $0xffff;
	v7 =	vor.u32 v1, v6;
	v1 =	vsel vm11, $0x10000, v0  }
0x82: {  	s31 =	sshll.u32 s30, $0x1;
	s7 =	simm.s32 $0x0;
	v3 =	vor.u32 v3, v63;
	v2 =	vor.u32 v17, v22;
	v6 =	vor.u32 v1, v60;
	v1 =	vld.idx.msk [tilespmem:v36+s5+$0x0], $0xffff  }
.LBB2_3:
0x83: {  	s7 =	sadd.s32 $0x8, s7;
	v17 =	vld [tilespmem:s0+$0x2A0]  }
0x84: {  	s9 =	sshll.u32 s7, $0x3;
	s10 =	sshll.u32 s7, $0x6;
	p1 =	slt.u32 s7, $0xF8;
	v18 =	vld [tilespmem:s0+$0x2B0]  }
0x85: {  	s3 =	sadd.s32 $0x400, s3;
	s10 =	sand.u32 $0x2000, s10;
	s14 =	sand.u32 $0x200, s9;
	v19 =	vld [tilespmem:s0+$0x2C0]  }
0x86: {  	s9 =	sand.u32 $0x1C00, s3;
	s10 =	sor.u32 s10, s14;
	vm0 =	vgt.f32 v15, v11;
	v11 =	vld [tilespmem:s0+$0x2D0]  }
0x87: {  	v15 =	vsel vm0, $0x1000000, v0;
	vm0 =	vgt.f32 v16, v14;
	v14 =	vld [tilespmem:s0+$0x2E0];
	s0 =	sor.u32 s9, s10  }
0x88: {  	v16 =	vld [tilespmem:s0+$0x8170];
	v8 =	vor.u32 v15, v8;
	v15 =	vsel vm0, $0x1000000, v0;
	vm0 =	vgt.f32 v17, v12  }
0x89: {  	v12 =	vld [tilespmem:s0+$0x81F0];
	[tilespmem:s8+$0x10100] =	vst v8;
	v7 =	vor.u32 v15, v7;
	v8 =	vsel vm0, $0x1000000, v0;
	vm0 =	vgt.f32 v18, v4  }
0x8a: {  	v4 =	vld [tilespmem:s0+$0x8270];
	[tilespmem:s2+$0x10] =	vst v7;
	v6 =	vor.u32 v8, v6;
	v7 =	vsel vm0, $0x1000000, v0;
	vm0 =	vgt.f32 v19, v5  }
0x8b: {  	v5 =	vld [tilespmem:s0+$0x82F0];
	[tilespmem:s2+$0x20] =	vst v6;
	v6 =	vor.u32 v7, v9;
	v7 =	vsel vm0, $0x1000000, v0;
	vm0 =	vgt.f32 v11, v10  }
0x8c: {  	v8 =	vld [tilespmem:s0+$0x8100];
	[tilespmem:s2+$0x30] =	vst v6;
	v6 =	vor.u32 v7, v13;
	v7 =	vsel vm0, $0x1000000, v0;
	vm0 =	vgt.f32 v14, v1  }
0x8d: {  	v1 =	vld [tilespmem:s0+$0x270];
	[tilespmem:s2+$0x40] =	vst v6;
	v3 =	vor.u32 v7, v3;
	v6 =	vsel vm0, $0x1000000, v0  }
0x8e: {  	v7 =	vld [tilespmem:s0+$0x170];
	[tilespmem:s2+$0x50] =	vst v3;
	v2 =	vor.u32 v6, v2  }
0x8f: {  	v3 =	vld [tilespmem:s0+$0x1F0];
	[tilespmem:s2+$0x60] =	vst v2  }
0x90: {  	v2 =	vld.idx.msk [tilespmem:v16+s5+$0x0], $0xffff  }
0x91: {  	v6 =	vld.idx.msk [tilespmem:v12+s5+$0x0], $0xffff  }
0x92: {  	v4 =	vld.idx.msk [tilespmem:v4+s5+$0x0], $0xffff  }
0x93: {  	v5 =	vld.idx.msk [tilespmem:v5+s5+$0x0], $0xffff  }
0x94: {  	v9 =	vld [tilespmem:s0+$0x2F0]  }
0x95: {  	v10 =	vld [tilespmem:s0+$0x8180]  }
0x96: {  	v11 =	vld [tilespmem:s0+$0x8110]  }
0x97: {  	vm0 =	vgt.f32 v7, v2;
	vm1 =	vgt.f32 v3, v6;
	v12 =	vld [tilespmem:s0+$0x8190]  }
0x98: {  	s2 =	sshll.u32 s7, $0x1;
	v2 =	vsel vm0, $0x1, v0;
	v3 =	vsel vm1, $0x100, v0;
	vm0 =	vgt.f32 v1, v4;
	v13 =	vld [tilespmem:s0+$0x8120]  }
0x99: {  	s2 =	sand.u32 $0x3FFFFF80, s2;
	v1 =	vor.u32 v2, v3;
	v2 =	vsel vm0, $0x10000, v0;
	v14 =	vld [tilespmem:s0+$0x81A0];
	vm0 =	vgt.f32 v9, v5  }
0x9a: {  	s8 =	sadd.s32 s9, s2;
	v1 =	vor.u32 v2, v1;
	v9 =	vld [tilespmem:s0+$0x8130];
	v2 =	vsel vm0, $0x1000000, v0  }
0x9b: {  	s2 =	sadd.s32 $0x10100, s8;
	v15 =	vld [tilespmem:s0+$0x81B0];
	v1 =	vor.u32 v2, v1  }
0x9c: {  	v16 =	vld [tilespmem:s0+$0x8140];
	[tilespmem:s2+$0x70] =	vst v1  }
0x9d: {  	v17 =	vld [tilespmem:s0+$0x81C0]  }
0x9e: {  	v18 =	vld [tilespmem:s0+$0x8150]  }
0x9f: {  	v19 =	vld [tilespmem:s0+$0x81D0]  }
0xa0: {  	v20 =	vld [tilespmem:s0+$0x8160]  }
0xa1: {  	v21 =	vld [tilespmem:s0+$0x81E0]  }
0xa2: {  	v22 =	vld [tilespmem:s0+$0x8200]  }
0xa3: {  	v23 =	vld [tilespmem:s0+$0x8210]  }
0xa4: {  	v24 =	vld [tilespmem:s0+$0x8220]  }
0xa5: {  	v25 =	vld [tilespmem:s0+$0x8230]  }
0xa6: {  	v26 =	vld [tilespmem:s0+$0x8240]  }
0xa7: {  	v27 =	vld [tilespmem:s0+$0x8250]  }
0xa8: {  	v28 =	vld [tilespmem:s0+$0x8260]  }
0xa9: {  	v7 =	vld [tilespmem:s0+$0x8280]  }
0xaa: {  	v6 =	vld [tilespmem:s0+$0x8290]  }
0xab: {  	v5 =	vld [tilespmem:s0+$0x82A0]  }
0xac: {  	v4 =	vld [tilespmem:s0+$0x82B0]  }
0xad: {  	v3 =	vld [tilespmem:s0+$0x82C0]  }
0xae: {  	v2 =	vld [tilespmem:s0+$0x82D0]  }
0xaf: {  	v1 =	vld [tilespmem:s0+$0x82E0]  }
0xb0: {  	v8 =	vld.idx.msk [tilespmem:v8+s5+$0x0], $0xffff  }
0xb1: {  	v10 =	vld.idx.msk [tilespmem:v10+s5+$0x0], $0xffff  }
0xb2: {  	v11 =	vld.idx.msk [tilespmem:v11+s5+$0x0], $0xffff  }
0xb3: {  	v12 =	vld.idx.msk [tilespmem:v12+s5+$0x0], $0xffff  }
0xb4: {  	v13 =	vld.idx.msk [tilespmem:v13+s5+$0x0], $0xffff  }
0xb5: {  	v14 =	vld.idx.msk [tilespmem:v14+s5+$0x0], $0xffff  }
0xb6: {  	v9 =	vld.idx.msk [tilespmem:v9+s5+$0x0], $0xffff  }
0xb7: {  	v15 =	vld.idx.msk [tilespmem:v15+s5+$0x0], $0xffff  }
0xb8: {  	v16 =	vld.idx.msk [tilespmem:v16+s5+$0x0], $0xffff  }
0xb9: {  	v17 =	vld.idx.msk [tilespmem:v17+s5+$0x0], $0xffff  }
0xba: {  	v18 =	vld.idx.msk [tilespmem:v18+s5+$0x0], $0xffff  }
0xbb: {  	v19 =	vld.idx.msk [tilespmem:v19+s5+$0x0], $0xffff  }
0xbc: {  	v20 =	vld.idx.msk [tilespmem:v20+s5+$0x0], $0xffff  }
0xbd: {  	v21 =	vld.idx.msk [tilespmem:v21+s5+$0x0], $0xffff  }
0xbe: {  	v29 =	vld [tilespmem:s0+$0x100]  }
0xbf: {  	v30 =	vld [tilespmem:s0+$0x180]  }
0xc0: {  	v31 =	vld [tilespmem:s0+$0x110]  }
0xc1: {  	v32 =	vld [tilespmem:s0+$0x190]  }
0xc2: {  	v33 =	vld [tilespmem:s0+$0x120]  }
0xc3: {  	vm0 =	vgt.f32 v29, v8;
	v8 =	vld [tilespmem:s0+$0x1A0]  }
0xc4: {  	v29 =	vsel vm0, $0x1, v0;
	vm0 =	vgt.f32 v30, v10;
	v10 =	vld [tilespmem:s0+$0x130]  }
0xc5: {  	v30 =	vsel vm0, $0x100, v0;
	vm0 =	vgt.f32 v31, v11;
	v11 =	vld [tilespmem:s0+$0x1B0]  }
0xc6: {  	v29 =	vor.u32 v29, v30;
	v30 =	vsel vm0, $0x1, v0;
	vm0 =	vgt.f32 v32, v12;
	v12 =	vld [tilespmem:s0+$0x140]  }
0xc7: {  	v31 =	vsel vm0, $0x100, v0;
	vm0 =	vgt.f32 v33, v13;
	v13 =	vld [tilespmem:s0+$0x1C0]  }
0xc8: {  	v30 =	vor.u32 v30, v31;
	v31 =	vsel vm0, $0x1, v0;
	vm0 =	vgt.f32 v8, v14;
	v8 =	vld [tilespmem:s0+$0x150]  }
0xc9: {  	v14 =	vsel vm0, $0x100, v0;
	vm0 =	vgt.f32 v10, v9;
	v9 =	vld [tilespmem:s0+$0x1D0]  }
0xca: {  	v10 =	vor.u32 v31, v14;
	v14 =	vsel vm0, $0x1, v0;
	vm0 =	vgt.f32 v11, v15;
	v11 =	vld [tilespmem:s0+$0x160]  }
0xcb: {  	v15 =	vsel vm0, $0x100, v0;
	vm0 =	vgt.f32 v12, v16;
	v12 =	vld [tilespmem:s0+$0x1E0]  }
0xcc: {  	v16 =	vld.idx.msk [tilespmem:v22+s5+$0x0], $0xffff;
	v15 =	vor.u32 v14, v15;
	v14 =	vsel vm0, $0x1, v0;
	vm0 =	vgt.f32 v13, v17  }
0xcd: {  	v13 =	vld.idx.msk [tilespmem:v23+s5+$0x0], $0xffff;
	v17 =	vsel vm0, $0x100, v0;
	vm0 =	vgt.f32 v8, v18  }
0xce: {  	v18 =	vld.idx.msk [tilespmem:v24+s5+$0x0], $0xffff;
	v17 =	vor.u32 v14, v17;
	v8 =	vsel vm0, $0x1, v0;
	vm0 =	vgt.f32 v9, v19  }
0xcf: {  	v9 =	vld.idx.msk [tilespmem:v25+s5+$0x0], $0xffff;
	v14 =	vsel vm0, $0x100, v0;
	vm0 =	vgt.f32 v11, v20  }
0xd0: {  	v19 =	vld.idx.msk [tilespmem:v26+s5+$0x0], $0xffff;
	v20 =	vor.u32 v8, v14;
	v8 =	vsel vm0, $0x1, v0;
	vm0 =	vgt.f32 v12, v21  }
0xd1: {  	v21 =	vld.idx.msk [tilespmem:v27+s5+$0x0], $0xffff;
	v11 =	vsel vm0, $0x100, v0  }
0xd2: {  	v22 =	vor.u32 v8, v11;
	v23 =	vld.idx.msk [tilespmem:v28+s5+$0x0], $0xffff  }
0xd3: {  	v8 =	vld [tilespmem:s0+$0x200]  }
0xd4: {  	v11 =	vld [tilespmem:s0+$0x210]  }
0xd5: {  	v12 =	vld [tilespmem:s0+$0x220]  }
0xd6: {  	v24 =	vld [tilespmem:s0+$0x230]  }
0xd7: {  	v25 =	vld [tilespmem:s0+$0x240]  }
0xd8: {  	vm0 =	vgt.f32 v8, v16;
	v16 =	vld [tilespmem:s0+$0x250]  }
0xd9: {  	v8 =	vsel vm0, $0x10000, v0;
	vm0 =	vgt.f32 v11, v13;
	v26 =	vld [tilespmem:s0+$0x260]  }
0xda: {  	v8 =	vor.u32 v8, v29;
	v11 =	vld.idx.msk [tilespmem:v7+s5+$0x0], $0xffff;
	v7 =	vsel vm0, $0x10000, v0;
	vm0 =	vgt.f32 v12, v18  }
0xdb: {  	v7 =	vor.u32 v7, v30;
	v14 =	vld.idx.msk [tilespmem:v6+s5+$0x0], $0xffff;
	v6 =	vsel vm0, $0x10000, v0;
	vm0 =	vgt.f32 v24, v9  }
0xdc: {  	v6 =	vor.u32 v6, v10;
	v12 =	vld.idx.msk [tilespmem:v5+s5+$0x0], $0xffff;
	v5 =	vsel vm0, $0x10000, v0;
	vm0 =	vgt.f32 v25, v19  }
0xdd: {  	v9 =	vor.u32 v5, v15;
	v4 =	vld.idx.msk [tilespmem:v4+s5+$0x0], $0xffff;
	v5 =	vsel vm0, $0x10000, v0;
	vm0 =	vgt.f32 v16, v21  }
.Ltmp0:
0xde: {  	v13 =	vor.u32 v5, v17;
	v5 =	vld.idx.msk [tilespmem:v3+s5+$0x0], $0xffff;
	v3 =	vsel vm0, $0x10000, v0;
	vm0 =	vgt.f32 v26, v23;
	(pc) =	sbr.rel @p1 .LBB2_3-.Ltmp0, $4  }
0xdf: {  	v3 =	vor.u32 v3, v20;
	v10 =	vld.idx.msk [tilespmem:v2+s5+$0x0], $0xffff;
	v2 =	vsel vm0, $0x10000, v0  }
0xe0: {  	v2 =	vor.u32 v2, v22;
	v1 =	vld.idx.msk [tilespmem:v1+s5+$0x0], $0xffff  }
0xe1: {  	v15 =	vld [tilespmem:s0+$0x280]  }
0xe2: {  	v16 =	vld [tilespmem:s0+$0x290]  }
0xe3: {  	v17 =	vld [tilespmem:s0+$0x2A0]  }
0xe4: {  	v18 =	vld [tilespmem:s0+$0x2B0]  }
0xe5: {  	v19 =	vld [tilespmem:s0+$0x2C0]  }
0xe6: {  	vm0 =	vgt.f32 v15, v11;
	v11 =	vld [tilespmem:s0+$0x2D0]  }
0xe7: {  	v15 =	vsel vm0, $0x1000000, v0;
	vm10 =	vgt.f32 v16, v14;
	v14 =	vld [tilespmem:s0+$0x2E0]  }
0xe8: {  	v8 =	vor.u32 v15, v8;
	v15 =	vsel vm10, $0x1000000, v0;
	vm11 =	vgt.f32 v17, v12  }
0xe9: {  	vm12 =	vgt.f32 v18, v4;
	[tilespmem:s8+$0x10100] =	vst v8;
	v7 =	vor.u32 v15, v7;
	v8 =	vsel vm11, $0x1000000, v0  }
0xea: {  	vm13 =	vgt.f32 v19, v5;
	[tilespmem:s2+$0x10] =	vst v7;
	v4 =	vor.u32 v8, v6;
	v6 =	vsel vm12, $0x1000000, v0  }
0xeb: {  	v5 =	vsel vm13, $0x1000000, v0;
	[tilespmem:s2+$0x20] =	vst v4;
	v4 =	vor.u32 v6, v9;
	vm14 =	vgt.f32 v11, v10  }
0xec: {  	s14 =	sshll.u32 s30, $0xD;
	[tilespmem:s2+$0x30] =	vst v4;
	v4 =	vor.u32 v5, v13;
	v5 =	vsel vm14, $0x1000000, v0;
	vm15 =	vgt.f32 v14, v1  }
0xed: {  	s0 =	sadd.s32 s6, s14;
	[tilespmem:s2+$0x40] =	vst v4;
	v1 =	vor.u32 v5, v3;
	v3 =	vsel vm15, $0x1000000, v0  }
0xee: {  	s7 =	sor.u32 $0x1000, s0;
	[tilespmem:s2+$0x50] =	vst v1;
	v1 =	vor.u32 v3, v2  }
0xef: {  	s3 =	simm.s32 $0x0;
	s15 =	sadd.s32 s1, s7;
	[tilespmem:s2+$0x60] =	vst v1  }
0xf0: {  	[tilespmem:s16], [sflag:$0x1] =	stream.linear.gather [hbm4b:s15+s3], $0x4000, $0x38;
	[tilespmem:$0x14100] =	vst v63  }
0xf1: {  	s7 =	sadd.s32 s4, s7  }
0xf2: {  	[tilespmem:s17], [sflag:$0x3] =	stream.linear.gather [hbm4b:s7+s3], $0x4000, $0x38;
	[tilespmem:$0x14100] =	vst v63  }
0xf3: {  	_ =	swait.ge [sflag:s22], $0x4000  }
0xf4: {  	[sflag:s22] =	ssyncset.done $0x0  }
0xf5: {  	s9 =	simm.s32 $0x0;
	s8 =	simm.s32 $0x0;
	[sflag:s22] =	ssyncadd.s32 $0xFFFFC000  }
0xf6: {  	s10 =	sand.u32 $0x2000, s9;
	s2 =	sand.u32 $0x200, s8;
	_ =	swait.ge [sflag:s23], $0x4000  }
0xf7: {  	s14 =	sand.u32 $0x1C00, s3;
	s2 =	sor.u32 s10, s2;
	[sflag:s23] =	ssyncset.done $0x0  }
0xf8: {  	s2 =	sor.u32 s14, s2;
	[sflag:s23] =	ssyncadd.s32 $0xFFFFC000  }
0xf9: {  	v1 =	vld [tilespmem:s2+$0xC170]  }
0xfa: {  	v2 =	vld [tilespmem:s2+$0xC1F0]  }
0xfb: {  	v3 =	vld [tilespmem:s2+$0xC270]  }
0xfc: {  	v4 =	vld [tilespmem:s2+$0xC2F0]  }
0xfd: {  	v5 =	vld [tilespmem:s2+$0xC100]  }
0xfe: {  	v6 =	vld [tilespmem:s2+$0x4270]  }
0xff: {  	v7 =	vld [tilespmem:s2+$0x4170]  }
0x100: {  	v8 =	vld [tilespmem:s2+$0x41F0]  }
0x101: {  	v9 =	vld [tilespmem:s2+$0x42F0]  }
0x102: {  	v10 =	vld [tilespmem:s2+$0xC180]  }
0x103: {  	v11 =	vld [tilespmem:s2+$0xC110]  }
0x104: {  	v12 =	vld [tilespmem:s2+$0xC190]  }
0x105: {  	v13 =	vld [tilespmem:s2+$0xC120]  }
0x106: {  	v14 =	vld [tilespmem:s2+$0xC1A0]  }
0x107: {  	v15 =	vld [tilespmem:s2+$0xC130]  }
0x108: {  	v16 =	vld [tilespmem:s2+$0xC1B0]  }
0x109: {  	v17 =	vld [tilespmem:s2+$0xC140]  }
0x10a: {  	v18 =	vld [tilespmem:s2+$0xC1C0]  }
0x10b: {  	v19 =	vld [tilespmem:s2+$0xC150]  }
0x10c: {  	v20 =	vld [tilespmem:s2+$0xC1D0]  }
0x10d: {  	v21 =	vld [tilespmem:s2+$0xC160]  }
0x10e: {  	v22 =	vld [tilespmem:s2+$0xC1E0]  }
0x10f: {  	v23 =	vld [tilespmem:s2+$0xC200]  }
0x110: {  	v24 =	vld [tilespmem:s2+$0xC210]  }
0x111: {  	v25 =	vld [tilespmem:s2+$0xC220]  }
0x112: {  	v26 =	vld [tilespmem:s2+$0xC230]  }
0x113: {  	v27 =	vld [tilespmem:s2+$0xC240]  }
0x114: {  	v28 =	vld [tilespmem:s2+$0xC250]  }
0x115: {  	v29 =	vld [tilespmem:s2+$0xC260]  }
0x116: {  	v30 =	vld [tilespmem:s2+$0xC280]  }
0x117: {  	v31 =	vld [tilespmem:s2+$0xC290]  }
0x118: {  	v32 =	vld [tilespmem:s2+$0xC2A0]  }
0x119: {  	v33 =	vld [tilespmem:s2+$0xC2B0]  }
0x11a: {  	v34 =	vld [tilespmem:s2+$0xC2C0]  }
0x11b: {  	v35 =	vld [tilespmem:s2+$0xC2D0]  }
0x11c: {  	v36 =	vld [tilespmem:s2+$0xC2E0]  }
0x11d: {  	v37 =	vld [tilespmem:s2+$0x4100]  }
0x11e: {  	v38 =	vld [tilespmem:s2+$0x4180]  }
0x11f: {  	v39 =	vld [tilespmem:s2+$0x4110]  }
0x120: {  	v40 =	vld [tilespmem:s2+$0x4190]  }
0x121: {  	v41 =	vld [tilespmem:s2+$0x4120]  }
0x122: {  	v42 =	vld [tilespmem:s2+$0x41A0]  }
0x123: {  	v43 =	vld [tilespmem:s2+$0x4130]  }
0x124: {  	v44 =	vld [tilespmem:s2+$0x41B0]  }
0x125: {  	v45 =	vld [tilespmem:s2+$0x4140]  }
0x126: {  	v46 =	vld [tilespmem:s2+$0x41C0]  }
0x127: {  	v47 =	vld [tilespmem:s2+$0x4150]  }
0x128: {  	v48 =	vld [tilespmem:s2+$0x41D0]  }
0x129: {  	v49 =	vld [tilespmem:s2+$0x4160]  }
0x12a: {  	v50 =	vld [tilespmem:s2+$0x41E0]  }
0x12b: {  	v62 =	vld [tilespmem:s2+$0x4260]  }
0x12c: {  	v1 =	vld.idx.msk [tilespmem:v1+s5+$0x0], $0xffff  }
0x12d: {  	v2 =	vld.idx.msk [tilespmem:v2+s5+$0x0], $0xffff  }
0x12e: {  	v3 =	vld.idx.msk [tilespmem:v3+s5+$0x0], $0xffff  }
0x12f: {  	v4 =	vld.idx.msk [tilespmem:v4+s5+$0x0], $0xffff  }
0x130: {  	v5 =	vld.idx.msk [tilespmem:v5+s5+$0x0], $0xffff  }
0x131: {  	v10 =	vld.idx.msk [tilespmem:v10+s5+$0x0], $0xffff  }
0x132: {  	v11 =	vld.idx.msk [tilespmem:v11+s5+$0x0], $0xffff  }
0x133: {  	v12 =	vld.idx.msk [tilespmem:v12+s5+$0x0], $0xffff  }
0x134: {  	v13 =	vld.idx.msk [tilespmem:v13+s5+$0x0], $0xffff  }
0x135: {  	v14 =	vld.idx.msk [tilespmem:v14+s5+$0x0], $0xffff  }
0x136: {  	v15 =	vld.idx.msk [tilespmem:v15+s5+$0x0], $0xffff  }
0x137: {  	v16 =	vld.idx.msk [tilespmem:v16+s5+$0x0], $0xffff  }
0x138: {  	v17 =	vld.idx.msk [tilespmem:v17+s5+$0x0], $0xffff  }
0x139: {  	v18 =	vld.idx.msk [tilespmem:v18+s5+$0x0], $0xffff  }
0x13a: {  	v19 =	vld.idx.msk [tilespmem:v19+s5+$0x0], $0xffff  }
0x13b: {  	v20 =	vld.idx.msk [tilespmem:v20+s5+$0x0], $0xffff  }
0x13c: {  	v21 =	vld.idx.msk [tilespmem:v21+s5+$0x0], $0xffff  }
0x13d: {  	v22 =	vld.idx.msk [tilespmem:v22+s5+$0x0], $0xffff;
	vm4 =	vgt.f32 v7, v1  }
0x13e: {  	v59 =	vld.idx.msk [tilespmem:v28+s5+$0x0], $0xffff;
	vm1 =	vgt.f32 v8, v2;
	vm5 =	vgt.f32 v6, v3;
	vm6 =	vgt.f32 v9, v4  }
0x13f: {  	v1 =	vld.idx.msk [tilespmem:v23+s5+$0x0], $0xffff;
	vm7 =	vgt.f32 v37, v5;
	vm8 =	vgt.f32 v38, v10;
	vm9 =	vgt.f32 v39, v11  }
0x140: {  	v3 =	vld.idx.msk [tilespmem:v24+s5+$0x0], $0xffff;
	vm10 =	vgt.f32 v40, v12;
	vm11 =	vgt.f32 v41, v13;
	vm12 =	vgt.f32 v42, v14  }
0x141: {  	v7 =	vld.idx.msk [tilespmem:v25+s5+$0x0], $0xffff;
	vm13 =	vgt.f32 v43, v15;
	vm14 =	vgt.f32 v44, v16;
	vm15 =	vgt.f32 v45, v17  }
0x142: {  	v9 =	vld.idx.msk [tilespmem:v26+s5+$0x0], $0xffff;
	v2 =	vsel vm4, $0x1, v0;
	v6 =	vsel vm1, $0x100, v0;
	v4 =	vsel vm5, $0x10000, v0  }
0x143: {  	v10 =	vld.idx.msk [tilespmem:v27+s5+$0x0], $0xffff;
	v5 =	vsel vm6, $0x1000000, v0;
	v8 =	vsel vm7, $0x1, v0;
	v11 =	vsel vm11, $0x1, v0  }
0x144: {  	v13 =	vld.idx.msk [tilespmem:v29+s5+$0x0], $0xffff;
	v12 =	vsel vm12, $0x100, v0;
	vm4 =	vgt.f32 v46, v18;
	vm5 =	vgt.f32 v47, v19  }
0x145: {  	v15 =	vld [tilespmem:s2+$0x4210];
	vm6 =	vgt.f32 v48, v20;
	vm7 =	vgt.f32 v49, v21;
	v2 =	vor.u32 v2, v6  }
0x146: {  	v16 =	vld [tilespmem:s2+$0x4230];
	v6 =	vsel vm8, $0x100, v0;
	v60 =	vor.u32 v11, v12;
	v11 =	vsel vm13, $0x1, v0  }
0x147: {  	v14 =	vld.idx.msk [tilespmem:v31+s5+$0x0], $0xffff;
	v12 =	vsel vm14, $0x100, v0;
	vm8 =	vgt.f32 v50, v22;
	v2 =	vor.u32 v4, v2  }
0x148: {  	v18 =	vld [tilespmem:s2+$0x4240];
	v4 =	vsel vm9, $0x1, v0;
	v17 =	vor.u32 v11, v12;
	v11 =	vsel vm15, $0x1, v0  }
0x149: {  	v19 =	vld [tilespmem:s2+$0x4250];
	v12 =	vsel vm4, $0x100, v0;
	v22 =	vsel vm8, $0x100, v0;
	v2 =	vor.u32 v5, v2  }
0x14a: {  	v5 =	vor.u32 v8, v6;
	v6 =	vsel vm10, $0x100, v0;
	v8 =	vld [tilespmem:s2+$0x4200];
	v61 =	vor.u32 v11, v12  }
0x14b: {  	v11 =	vsel vm5, $0x1, v0;
	v12 =	vsel vm6, $0x100, v0;
	v6 =	vor.u32 v4, v6;
	v4 =	vld [tilespmem:s2+$0x4220]  }
0x14c: {  	v63 =	vor.u32 v11, v12;
	v11 =	vld.idx.msk [tilespmem:v30+s5+$0x0], $0xffff;
	v12 =	vsel vm7, $0x1, v0;
	vm10 =	vgt.f32 v15, v3  }
0x14d: {  	vm12 =	vgt.f32 v16, v9;
	vm15 =	vgt.f32 v62, v13;
	v15 =	vld [tilespmem:s2+$0x4280];
	v22 =	vor.u32 v12, v22  }
0x14e: {  	s15 =	simm.s32 $0x0;
	v12 =	vld.idx.msk [tilespmem:v32+s5+$0x0], $0xffff;
	v3 =	vsel vm12, $0x10000, v0;
	vm13 =	vgt.f32 v18, v10;
	vm14 =	vgt.f32 v19, v59  }
0x14f: {  	s8 =	sand.u32 $0x3FFFFF80, s15;
	v10 =	vld.idx.msk [tilespmem:v35+s5+$0x0], $0xffff;
	v16 =	vsel vm13, $0x10000, v0;
	v9 =	vor.u32 v3, v17;
	vm9 =	vgt.f32 v8, v1  }
0x150: {  	s9 =	sadd.s32 s14, s8;
	v3 =	vsel vm14, $0x10000, v0;
	v13 =	vor.u32 v16, v61;
	v16 =	vld [tilespmem:s2+$0x4290];
	v1 =	vsel vm9, $0x10000, v0  }
0x151: {  	s7 =	sadd.s32 $0x10100, s9;
	vm11 =	vgt.f32 v4, v7;
	v4 =	vld.idx.msk [tilespmem:v33+s5+$0x0], $0xffff;
	v8 =	vor.u32 v1, v5;
	v1 =	vsel vm10, $0x10000, v0  }
0x152: {  	[tilespmem:s7+$0x270] =	vst v2;
	v17 =	vsel vm15, $0x10000, v0;
	v5 =	vld.idx.msk [tilespmem:v34+s5+$0x0], $0xffff;
	v7 =	vor.u32 v1, v6;
	v1 =	vsel vm11, $0x10000, v0  }
0x153: {  	s8 =	simm.s32 $0x0;
	v3 =	vor.u32 v3, v63;
	v2 =	vor.u32 v17, v22;
	v6 =	vor.u32 v1, v60;
	v1 =	vld.idx.msk [tilespmem:v36+s5+$0x0], $0xffff  }
.LBB2_5:
0x154: {  	s8 =	sadd.s32 $0x8, s8;
	v17 =	vld [tilespmem:s2+$0x42A0]  }
0x155: {  	s10 =	sshll.u32 s8, $0x3;
	s14 =	sshll.u32 s8, $0x6;
	p1 =	slt.u32 s8, $0xF8;
	v18 =	vld [tilespmem:s2+$0x42B0]  }
0x156: {  	s3 =	sadd.s32 $0x400, s3;
	s14 =	sand.u32 $0x2000, s14;
	s15 =	sand.u32 $0x200, s10;
	v19 =	vld [tilespmem:s2+$0x42C0]  }
0x157: {  	s10 =	sand.u32 $0x1C00, s3;
	s14 =	sor.u32 s14, s15;
	vm0 =	vgt.f32 v15, v11;
	v11 =	vld [tilespmem:s2+$0x42D0]  }
0x158: {  	v15 =	vsel vm0, $0x1000000, v0;
	vm0 =	vgt.f32 v16, v14;
	v14 =	vld [tilespmem:s2+$0x42E0];
	s2 =	sor.u32 s10, s14  }
0x159: {  	v16 =	vld [tilespmem:s2+$0xC170];
	v8 =	vor.u32 v15, v8;
	v15 =	vsel vm0, $0x1000000, v0;
	vm0 =	vgt.f32 v17, v12  }
0x15a: {  	v12 =	vld [tilespmem:s2+$0xC1F0];
	[tilespmem:s9+$0x10300] =	vst v8;
	v7 =	vor.u32 v15, v7;
	v8 =	vsel vm0, $0x1000000, v0;
	vm0 =	vgt.f32 v18, v4  }
0x15b: {  	v4 =	vld [tilespmem:s2+$0xC270];
	[tilespmem:s7+$0x210] =	vst v7;
	v6 =	vor.u32 v8, v6;
	v7 =	vsel vm0, $0x1000000, v0;
	vm0 =	vgt.f32 v19, v5  }
0x15c: {  	v5 =	vld [tilespmem:s2+$0xC2F0];
	[tilespmem:s7+$0x220] =	vst v6;
	v6 =	vor.u32 v7, v9;
	v7 =	vsel vm0, $0x1000000, v0;
	vm0 =	vgt.f32 v11, v10  }
0x15d: {  	v8 =	vld [tilespmem:s2+$0xC100];
	[tilespmem:s7+$0x230] =	vst v6;
	v6 =	vor.u32 v7, v13;
	v7 =	vsel vm0, $0x1000000, v0;
	vm0 =	vgt.f32 v14, v1  }
0x15e: {  	v1 =	vld [tilespmem:s2+$0x4270];
	[tilespmem:s7+$0x240] =	vst v6;
	v3 =	vor.u32 v7, v3;
	v6 =	vsel vm0, $0x1000000, v0  }
0x15f: {  	v7 =	vld [tilespmem:s2+$0x4170];
	[tilespmem:s7+$0x250] =	vst v3;
	v2 =	vor.u32 v6, v2  }
0x160: {  	v3 =	vld [tilespmem:s2+$0x41F0];
	[tilespmem:s7+$0x260] =	vst v2  }
0x161: {  	v2 =	vld.idx.msk [tilespmem:v16+s5+$0x0], $0xffff  }
0x162: {  	v6 =	vld.idx.msk [tilespmem:v12+s5+$0x0], $0xffff  }
0x163: {  	v4 =	vld.idx.msk [tilespmem:v4+s5+$0x0], $0xffff  }
0x164: {  	v5 =	vld.idx.msk [tilespmem:v5+s5+$0x0], $0xffff  }
0x165: {  	v9 =	vld [tilespmem:s2+$0x42F0]  }
0x166: {  	v10 =	vld [tilespmem:s2+$0xC180]  }
0x167: {  	v11 =	vld [tilespmem:s2+$0xC110]  }
0x168: {  	vm0 =	vgt.f32 v7, v2;
	vm1 =	vgt.f32 v3, v6;
	v12 =	vld [tilespmem:s2+$0xC190]  }
0x169: {  	s7 =	sshll.u32 s8, $0x1;
	v2 =	vsel vm0, $0x1, v0;
	v3 =	vsel vm1, $0x100, v0;
	vm0 =	vgt.f32 v1, v4;
	v13 =	vld [tilespmem:s2+$0xC120]  }
0x16a: {  	s7 =	sand.u32 $0x3FFFFF80, s7;
	v1 =	vor.u32 v2, v3;
	v2 =	vsel vm0, $0x10000, v0;
	v14 =	vld [tilespmem:s2+$0xC1A0];
	vm0 =	vgt.f32 v9, v5  }
0x16b: {  	s9 =	sadd.s32 s10, s7;
	v1 =	vor.u32 v2, v1;
	v9 =	vld [tilespmem:s2+$0xC130];
	v2 =	vsel vm0, $0x1000000, v0  }
0x16c: {  	s7 =	sadd.s32 $0x10100, s9;
	v15 =	vld [tilespmem:s2+$0xC1B0];
	v1 =	vor.u32 v2, v1  }
0x16d: {  	v16 =	vld [tilespmem:s2+$0xC140];
	[tilespmem:s7+$0x270] =	vst v1  }
0x16e: {  	v17 =	vld [tilespmem:s2+$0xC1C0]  }
0x16f: {  	v18 =	vld [tilespmem:s2+$0xC150]  }
0x170: {  	v19 =	vld [tilespmem:s2+$0xC1D0]  }
0x171: {  	v20 =	vld [tilespmem:s2+$0xC160]  }
0x172: {  	v21 =	vld [tilespmem:s2+$0xC1E0]  }
0x173: {  	v22 =	vld [tilespmem:s2+$0xC200]  }
0x174: {  	v23 =	vld [tilespmem:s2+$0xC210]  }
0x175: {  	v24 =	vld [tilespmem:s2+$0xC220]  }
0x176: {  	v25 =	vld [tilespmem:s2+$0xC230]  }
0x177: {  	v26 =	vld [tilespmem:s2+$0xC240]  }
0x178: {  	v27 =	vld [tilespmem:s2+$0xC250]  }
0x179: {  	v28 =	vld [tilespmem:s2+$0xC260]  }
0x17a: {  	v7 =	vld [tilespmem:s2+$0xC280]  }
0x17b: {  	v6 =	vld [tilespmem:s2+$0xC290]  }
0x17c: {  	v5 =	vld [tilespmem:s2+$0xC2A0]  }
0x17d: {  	v4 =	vld [tilespmem:s2+$0xC2B0]  }
0x17e: {  	v3 =	vld [tilespmem:s2+$0xC2C0]  }
0x17f: {  	v2 =	vld [tilespmem:s2+$0xC2D0]  }
0x180: {  	v1 =	vld [tilespmem:s2+$0xC2E0]  }
0x181: {  	v8 =	vld.idx.msk [tilespmem:v8+s5+$0x0], $0xffff  }
0x182: {  	v10 =	vld.idx.msk [tilespmem:v10+s5+$0x0], $0xffff  }
0x183: {  	v11 =	vld.idx.msk [tilespmem:v11+s5+$0x0], $0xffff  }
0x184: {  	v12 =	vld.idx.msk [tilespmem:v12+s5+$0x0], $0xffff  }
0x185: {  	v13 =	vld.idx.msk [tilespmem:v13+s5+$0x0], $0xffff  }
0x186: {  	v14 =	vld.idx.msk [tilespmem:v14+s5+$0x0], $0xffff  }
0x187: {  	v9 =	vld.idx.msk [tilespmem:v9+s5+$0x0], $0xffff  }
0x188: {  	v15 =	vld.idx.msk [tilespmem:v15+s5+$0x0], $0xffff  }
0x189: {  	v16 =	vld.idx.msk [tilespmem:v16+s5+$0x0], $0xffff  }
0x18a: {  	v17 =	vld.idx.msk [tilespmem:v17+s5+$0x0], $0xffff  }
0x18b: {  	v18 =	vld.idx.msk [tilespmem:v18+s5+$0x0], $0xffff  }
0x18c: {  	v19 =	vld.idx.msk [tilespmem:v19+s5+$0x0], $0xffff  }
0x18d: {  	v20 =	vld.idx.msk [tilespmem:v20+s5+$0x0], $0xffff  }
0x18e: {  	v21 =	vld.idx.msk [tilespmem:v21+s5+$0x0], $0xffff  }
0x18f: {  	v29 =	vld [tilespmem:s2+$0x4100]  }
0x190: {  	v30 =	vld [tilespmem:s2+$0x4180]  }
0x191: {  	v31 =	vld [tilespmem:s2+$0x4110]  }
0x192: {  	v32 =	vld [tilespmem:s2+$0x4190]  }
0x193: {  	v33 =	vld [tilespmem:s2+$0x4120]  }
0x194: {  	vm0 =	vgt.f32 v29, v8;
	v8 =	vld [tilespmem:s2+$0x41A0]  }
0x195: {  	v29 =	vsel vm0, $0x1, v0;
	vm0 =	vgt.f32 v30, v10;
	v10 =	vld [tilespmem:s2+$0x4130]  }
0x196: {  	v30 =	vsel vm0, $0x100, v0;
	vm0 =	vgt.f32 v31, v11;
	v11 =	vld [tilespmem:s2+$0x41B0]  }
0x197: {  	v29 =	vor.u32 v29, v30;
	v30 =	vsel vm0, $0x1, v0;
	vm0 =	vgt.f32 v32, v12;
	v12 =	vld [tilespmem:s2+$0x4140]  }
0x198: {  	v31 =	vsel vm0, $0x100, v0;
	vm0 =	vgt.f32 v33, v13;
	v13 =	vld [tilespmem:s2+$0x41C0]  }
0x199: {  	v30 =	vor.u32 v30, v31;
	v31 =	vsel vm0, $0x1, v0;
	vm0 =	vgt.f32 v8, v14;
	v8 =	vld [tilespmem:s2+$0x4150]  }
0x19a: {  	v14 =	vsel vm0, $0x100, v0;
	vm0 =	vgt.f32 v10, v9;
	v9 =	vld [tilespmem:s2+$0x41D0]  }
0x19b: {  	v10 =	vor.u32 v31, v14;
	v14 =	vsel vm0, $0x1, v0;
	vm0 =	vgt.f32 v11, v15;
	v11 =	vld [tilespmem:s2+$0x4160]  }
0x19c: {  	v15 =	vsel vm0, $0x100, v0;
	vm0 =	vgt.f32 v12, v16;
	v12 =	vld [tilespmem:s2+$0x41E0]  }
0x19d: {  	v16 =	vld.idx.msk [tilespmem:v22+s5+$0x0], $0xffff;
	v15 =	vor.u32 v14, v15;
	v14 =	vsel vm0, $0x1, v0;
	vm0 =	vgt.f32 v13, v17  }
0x19e: {  	v13 =	vld.idx.msk [tilespmem:v23+s5+$0x0], $0xffff;
	v17 =	vsel vm0, $0x100, v0;
	vm0 =	vgt.f32 v8, v18  }
0x19f: {  	v18 =	vld.idx.msk [tilespmem:v24+s5+$0x0], $0xffff;
	v17 =	vor.u32 v14, v17;
	v8 =	vsel vm0, $0x1, v0;
	vm0 =	vgt.f32 v9, v19  }
0x1a0: {  	v9 =	vld.idx.msk [tilespmem:v25+s5+$0x0], $0xffff;
	v14 =	vsel vm0, $0x100, v0;
	vm0 =	vgt.f32 v11, v20  }
0x1a1: {  	v19 =	vld.idx.msk [tilespmem:v26+s5+$0x0], $0xffff;
	v20 =	vor.u32 v8, v14;
	v8 =	vsel vm0, $0x1, v0;
	vm0 =	vgt.f32 v12, v21  }
0x1a2: {  	v21 =	vld.idx.msk [tilespmem:v27+s5+$0x0], $0xffff;
	v11 =	vsel vm0, $0x100, v0  }
0x1a3: {  	v22 =	vor.u32 v8, v11;
	v23 =	vld.idx.msk [tilespmem:v28+s5+$0x0], $0xffff  }
0x1a4: {  	v8 =	vld [tilespmem:s2+$0x4200]  }
0x1a5: {  	v11 =	vld [tilespmem:s2+$0x4210]  }
0x1a6: {  	v12 =	vld [tilespmem:s2+$0x4220]  }
0x1a7: {  	v24 =	vld [tilespmem:s2+$0x4230]  }
0x1a8: {  	v25 =	vld [tilespmem:s2+$0x4240]  }
0x1a9: {  	vm0 =	vgt.f32 v8, v16;
	v16 =	vld [tilespmem:s2+$0x4250]  }
0x1aa: {  	v8 =	vsel vm0, $0x10000, v0;
	vm0 =	vgt.f32 v11, v13;
	v26 =	vld [tilespmem:s2+$0x4260]  }
0x1ab: {  	v8 =	vor.u32 v8, v29;
	v11 =	vld.idx.msk [tilespmem:v7+s5+$0x0], $0xffff;
	v7 =	vsel vm0, $0x10000, v0;
	vm0 =	vgt.f32 v12, v18  }
0x1ac: {  	v7 =	vor.u32 v7, v30;
	v14 =	vld.idx.msk [tilespmem:v6+s5+$0x0], $0xffff;
	v6 =	vsel vm0, $0x10000, v0;
	vm0 =	vgt.f32 v24, v9  }
0x1ad: {  	v6 =	vor.u32 v6, v10;
	v12 =	vld.idx.msk [tilespmem:v5+s5+$0x0], $0xffff;
	v5 =	vsel vm0, $0x10000, v0;
	vm0 =	vgt.f32 v25, v19  }
0x1ae: {  	v9 =	vor.u32 v5, v15;
	v4 =	vld.idx.msk [tilespmem:v4+s5+$0x0], $0xffff;
	v5 =	vsel vm0, $0x10000, v0;
	vm0 =	vgt.f32 v16, v21  }
.Ltmp1:
0x1af: {  	v13 =	vor.u32 v5, v17;
	v5 =	vld.idx.msk [tilespmem:v3+s5+$0x0], $0xffff;
	v3 =	vsel vm0, $0x10000, v0;
	vm0 =	vgt.f32 v26, v23;
	(pc) =	sbr.rel @p1 .LBB2_5-.Ltmp1, $4  }
0x1b0: {  	v3 =	vor.u32 v3, v20;
	v10 =	vld.idx.msk [tilespmem:v2+s5+$0x0], $0xffff;
	v2 =	vsel vm0, $0x10000, v0  }
0x1b1: {  	v2 =	vor.u32 v2, v22;
	v1 =	vld.idx.msk [tilespmem:v1+s5+$0x0], $0xffff  }
0x1b2: {  	v15 =	vld [tilespmem:s2+$0x4280]  }
0x1b3: {  	v16 =	vld [tilespmem:s2+$0x4290]  }
0x1b4: {  	v17 =	vld [tilespmem:s2+$0x42A0]  }
0x1b5: {  	v18 =	vld [tilespmem:s2+$0x42B0]  }
0x1b6: {  	v19 =	vld [tilespmem:s2+$0x42C0]  }
0x1b7: {  	vm0 =	vgt.f32 v15, v11;
	v11 =	vld [tilespmem:s2+$0x42D0]  }
0x1b8: {  	v15 =	vsel vm0, $0x1000000, v0;
	vm10 =	vgt.f32 v16, v14;
	v14 =	vld [tilespmem:s2+$0x42E0]  }
0x1b9: {  	v8 =	vor.u32 v15, v8;
	v15 =	vsel vm10, $0x1000000, v0;
	vm11 =	vgt.f32 v17, v12  }
0x1ba: {  	vm12 =	vgt.f32 v18, v4;
	[tilespmem:s9+$0x10300] =	vst v8;
	v7 =	vor.u32 v15, v7;
	v8 =	vsel vm11, $0x1000000, v0  }
0x1bb: {  	vm13 =	vgt.f32 v19, v5;
	[tilespmem:s7+$0x210] =	vst v7;
	v4 =	vor.u32 v8, v6;
	v6 =	vsel vm12, $0x1000000, v0  }
0x1bc: {  	v5 =	vsel vm13, $0x1000000, v0;
	[tilespmem:s7+$0x220] =	vst v4;
	v4 =	vor.u32 v6, v9;
	vm14 =	vgt.f32 v11, v10  }
0x1bd: {  	[tilespmem:s7+$0x230] =	vst v4;
	v4 =	vor.u32 v5, v13;
	v5 =	vsel vm14, $0x1000000, v0;
	vm15 =	vgt.f32 v14, v1  }
0x1be: {  	[tilespmem:s7+$0x240] =	vst v4;
	v1 =	vor.u32 v5, v3;
	v3 =	vsel vm15, $0x1000000, v0  }
0x1bf: {  	s0 =	sor.u32 $0x1800, s0;
	[tilespmem:s7+$0x250] =	vst v1;
	v1 =	vor.u32 v3, v2  }
0x1c0: {  	s3 =	sadd.s32 s1, s0;
	[tilespmem:s7+$0x260] =	vst v1  }
0x1c1: {  	[tilespmem:s18], [sflag:$0x2] =	stream.linear.gather [hbm4b:s3+s5], $0x4000, $0x38;
	[tilespmem:$0x14100] =	vst v63  }
0x1c2: {  	s0 =	sadd.s32 s4, s0;
	s7 =	sshll.u32 s30, $0xB  }
0x1c3: {  	[tilespmem:s19], [sflag:$0x4] =	stream.linear.gather [hbm4b:s0+s5], $0x4000, $0x38;
	[tilespmem:$0x14100] =	vst v63  }
0x1c4: {  	s0 =	sadd.s32 s7, s11  }
0x1c5: {  	[hbm4b:s0+s5] =	stream.linear.scatter [tilespmem:s24], [sflag:$0x5], $0x2000, $0x38;
	[tilespmem:$0x14100] =	vst v63  }
0x1c6: {  	s0 =	simm.s32 @!p0 $0x6  }
0x1c7: {  	_ =	swait.ge @!p0 [sflag:s0], $0x2000  }
0x1c8: {  	[sflag:s0] =	ssyncset.done @!p0 $0x0  }
0x1c9: {  	[sflag:s0] =	ssyncadd.s32 @!p0 $0xFFFFE000  }
0x1ca: {  	_ =	swait.ge [sflag:s20], $0x4000  }
0x1cb: {  	s9 =	simm.s32 $0x0;
	[sflag:s20] =	ssyncset.done $0x0  }
0x1cc: {  	s8 =	simm.s32 $0x0;
	s10 =	sand.u32 $0x2000, s9;
	[sflag:s20] =	ssyncadd.s32 $0xFFFFC000  }
0x1cd: {  	s3 =	simm.s32 $0x0;
	s0 =	sand.u32 $0x200, s8;
	_ =	swait.ge [sflag:s21], $0x4000  }
0x1ce: {  	s14 =	sand.u32 $0x1C00, s3;
	s0 =	sor.u32 s10, s0;
	[sflag:s21] =	ssyncset.done $0x0  }
0x1cf: {  	s0 =	sor.u32 s14, s0;
	[sflag:s21] =	ssyncadd.s32 $0xFFFFC000  }
0x1d0: {  	v1 =	vld [tilespmem:s0+$0x8170]  }
0x1d1: {  	v2 =	vld [tilespmem:s0+$0x81F0]  }
0x1d2: {  	v3 =	vld [tilespmem:s0+$0x8270]  }
0x1d3: {  	v4 =	vld [tilespmem:s0+$0x82F0]  }
0x1d4: {  	v5 =	vld [tilespmem:s0+$0x8100]  }
0x1d5: {  	v6 =	vld [tilespmem:s0+$0x270]  }
0x1d6: {  	v7 =	vld [tilespmem:s0+$0x170]  }
0x1d7: {  	v8 =	vld [tilespmem:s0+$0x1F0]  }
0x1d8: {  	v9 =	vld [tilespmem:s0+$0x2F0]  }
0x1d9: {  	v10 =	vld [tilespmem:s0+$0x8180]  }
0x1da: {  	v11 =	vld [tilespmem:s0+$0x8110]  }
0x1db: {  	v12 =	vld [tilespmem:s0+$0x8190]  }
0x1dc: {  	v13 =	vld [tilespmem:s0+$0x8120]  }
0x1dd: {  	v14 =	vld [tilespmem:s0+$0x81A0]  }
0x1de: {  	v15 =	vld [tilespmem:s0+$0x8130]  }
0x1df: {  	v16 =	vld [tilespmem:s0+$0x81B0]  }
0x1e0: {  	v17 =	vld [tilespmem:s0+$0x8140]  }
0x1e1: {  	v18 =	vld [tilespmem:s0+$0x81C0]  }
0x1e2: {  	v19 =	vld [tilespmem:s0+$0x8150]  }
0x1e3: {  	v20 =	vld [tilespmem:s0+$0x81D0]  }
0x1e4: {  	v21 =	vld [tilespmem:s0+$0x8160]  }
0x1e5: {  	v22 =	vld [tilespmem:s0+$0x81E0]  }
0x1e6: {  	v23 =	vld [tilespmem:s0+$0x8200]  }
0x1e7: {  	v24 =	vld [tilespmem:s0+$0x8210]  }
0x1e8: {  	v25 =	vld [tilespmem:s0+$0x8220]  }
0x1e9: {  	v26 =	vld [tilespmem:s0+$0x8230]  }
0x1ea: {  	v27 =	vld [tilespmem:s0+$0x8240]  }
0x1eb: {  	v28 =	vld [tilespmem:s0+$0x8250]  }
0x1ec: {  	v29 =	vld [tilespmem:s0+$0x8260]  }
0x1ed: {  	v30 =	vld [tilespmem:s0+$0x8280]  }
0x1ee: {  	v31 =	vld [tilespmem:s0+$0x8290]  }
0x1ef: {  	v32 =	vld [tilespmem:s0+$0x82A0]  }
0x1f0: {  	v33 =	vld [tilespmem:s0+$0x82B0]  }
0x1f1: {  	v34 =	vld [tilespmem:s0+$0x82C0]  }
0x1f2: {  	v35 =	vld [tilespmem:s0+$0x82D0]  }
0x1f3: {  	v36 =	vld [tilespmem:s0+$0x82E0]  }
0x1f4: {  	v37 =	vld [tilespmem:s0+$0x100]  }
0x1f5: {  	v38 =	vld [tilespmem:s0+$0x180]  }
0x1f6: {  	v39 =	vld [tilespmem:s0+$0x110]  }
0x1f7: {  	v40 =	vld [tilespmem:s0+$0x190]  }
0x1f8: {  	v41 =	vld [tilespmem:s0+$0x120]  }
0x1f9: {  	v42 =	vld [tilespmem:s0+$0x1A0]  }
0x1fa: {  	v43 =	vld [tilespmem:s0+$0x130]  }
0x1fb: {  	v44 =	vld [tilespmem:s0+$0x1B0]  }
0x1fc: {  	v45 =	vld [tilespmem:s0+$0x140]  }
0x1fd: {  	v46 =	vld [tilespmem:s0+$0x1C0]  }
0x1fe: {  	v47 =	vld [tilespmem:s0+$0x150]  }
0x1ff: {  	v48 =	vld [tilespmem:s0+$0x1D0]  }
0x200: {  	v49 =	vld [tilespmem:s0+$0x160]  }
0x201: {  	v50 =	vld [tilespmem:s0+$0x1E0]  }
0x202: {  	v62 =	vld [tilespmem:s0+$0x260]  }
0x203: {  	v1 =	vld.idx.msk [tilespmem:v1+s5+$0x0], $0xffff  }
0x204: {  	v2 =	vld.idx.msk [tilespmem:v2+s5+$0x0], $0xffff  }
0x205: {  	v3 =	vld.idx.msk [tilespmem:v3+s5+$0x0], $0xffff  }
0x206: {  	v4 =	vld.idx.msk [tilespmem:v4+s5+$0x0], $0xffff  }
0x207: {  	v5 =	vld.idx.msk [tilespmem:v5+s5+$0x0], $0xffff  }
0x208: {  	v10 =	vld.idx.msk [tilespmem:v10+s5+$0x0], $0xffff  }
0x209: {  	v11 =	vld.idx.msk [tilespmem:v11+s5+$0x0], $0xffff  }
0x20a: {  	v12 =	vld.idx.msk [tilespmem:v12+s5+$0x0], $0xffff  }
0x20b: {  	v13 =	vld.idx.msk [tilespmem:v13+s5+$0x0], $0xffff  }
0x20c: {  	v14 =	vld.idx.msk [tilespmem:v14+s5+$0x0], $0xffff  }
0x20d: {  	v15 =	vld.idx.msk [tilespmem:v15+s5+$0x0], $0xffff  }
0x20e: {  	v16 =	vld.idx.msk [tilespmem:v16+s5+$0x0], $0xffff  }
0x20f: {  	v17 =	vld.idx.msk [tilespmem:v17+s5+$0x0], $0xffff  }
0x210: {  	v18 =	vld.idx.msk [tilespmem:v18+s5+$0x0], $0xffff  }
0x211: {  	v19 =	vld.idx.msk [tilespmem:v19+s5+$0x0], $0xffff  }
0x212: {  	v20 =	vld.idx.msk [tilespmem:v20+s5+$0x0], $0xffff  }
0x213: {  	v21 =	vld.idx.msk [tilespmem:v21+s5+$0x0], $0xffff  }
0x214: {  	v22 =	vld.idx.msk [tilespmem:v22+s5+$0x0], $0xffff;
	vm4 =	vgt.f32 v7, v1  }
0x215: {  	v59 =	vld.idx.msk [tilespmem:v28+s5+$0x0], $0xffff;
	vm1 =	vgt.f32 v8, v2;
	vm5 =	vgt.f32 v6, v3;
	vm6 =	vgt.f32 v9, v4  }
0x216: {  	v1 =	vld.idx.msk [tilespmem:v23+s5+$0x0], $0xffff;
	vm7 =	vgt.f32 v37, v5;
	vm8 =	vgt.f32 v38, v10;
	vm9 =	vgt.f32 v39, v11  }
0x217: {  	v3 =	vld.idx.msk [tilespmem:v24+s5+$0x0], $0xffff;
	vm10 =	vgt.f32 v40, v12;
	vm11 =	vgt.f32 v41, v13;
	vm12 =	vgt.f32 v42, v14  }
0x218: {  	v7 =	vld.idx.msk [tilespmem:v25+s5+$0x0], $0xffff;
	vm13 =	vgt.f32 v43, v15;
	vm14 =	vgt.f32 v44, v16;
	vm15 =	vgt.f32 v45, v17  }
0x219: {  	v9 =	vld.idx.msk [tilespmem:v26+s5+$0x0], $0xffff;
	v2 =	vsel vm4, $0x1, v0;
	v6 =	vsel vm1, $0x100, v0;
	v4 =	vsel vm5, $0x10000, v0  }
0x21a: {  	v10 =	vld.idx.msk [tilespmem:v27+s5+$0x0], $0xffff;
	v5 =	vsel vm6, $0x1000000, v0;
	v8 =	vsel vm7, $0x1, v0;
	v11 =	vsel vm11, $0x1, v0  }
0x21b: {  	v13 =	vld.idx.msk [tilespmem:v29+s5+$0x0], $0xffff;
	v12 =	vsel vm12, $0x100, v0;
	vm4 =	vgt.f32 v46, v18;
	vm5 =	vgt.f32 v47, v19  }
0x21c: {  	v15 =	vld [tilespmem:s0+$0x210];
	vm6 =	vgt.f32 v48, v20;
	vm7 =	vgt.f32 v49, v21;
	v2 =	vor.u32 v2, v6  }
0x21d: {  	v16 =	vld [tilespmem:s0+$0x230];
	v6 =	vsel vm8, $0x100, v0;
	v60 =	vor.u32 v11, v12;
	v11 =	vsel vm13, $0x1, v0  }
0x21e: {  	v14 =	vld.idx.msk [tilespmem:v31+s5+$0x0], $0xffff;
	v12 =	vsel vm14, $0x100, v0;
	vm8 =	vgt.f32 v50, v22;
	v2 =	vor.u32 v4, v2  }
0x21f: {  	v18 =	vld [tilespmem:s0+$0x240];
	v4 =	vsel vm9, $0x1, v0;
	v17 =	vor.u32 v11, v12;
	v11 =	vsel vm15, $0x1, v0  }
0x220: {  	v19 =	vld [tilespmem:s0+$0x250];
	v12 =	vsel vm4, $0x100, v0;
	v22 =	vsel vm8, $0x100, v0;
	v2 =	vor.u32 v5, v2  }
0x221: {  	v5 =	vor.u32 v8, v6;
	v6 =	vsel vm10, $0x100, v0;
	v8 =	vld [tilespmem:s0+$0x200];
	v61 =	vor.u32 v11, v12  }
0x222: {  	v11 =	vsel vm5, $0x1, v0;
	v12 =	vsel vm6, $0x100, v0;
	v6 =	vor.u32 v4, v6;
	v4 =	vld [tilespmem:s0+$0x220]  }
0x223: {  	v63 =	vor.u32 v11, v12;
	v11 =	vld.idx.msk [tilespmem:v30+s5+$0x0], $0xffff;
	v12 =	vsel vm7, $0x1, v0;
	vm10 =	vgt.f32 v15, v3  }
0x224: {  	vm12 =	vgt.f32 v16, v9;
	vm15 =	vgt.f32 v62, v13;
	v15 =	vld [tilespmem:s0+$0x280];
	v22 =	vor.u32 v12, v22  }
0x225: {  	s15 =	simm.s32 $0x0;
	v12 =	vld.idx.msk [tilespmem:v32+s5+$0x0], $0xffff;
	v3 =	vsel vm12, $0x10000, v0;
	vm13 =	vgt.f32 v18, v10;
	vm14 =	vgt.f32 v19, v59  }
0x226: {  	s7 =	sand.u32 $0x3FFFFF80, s15;
	v10 =	vld.idx.msk [tilespmem:v35+s5+$0x0], $0xffff;
	v16 =	vsel vm13, $0x10000, v0;
	v9 =	vor.u32 v3, v17;
	vm9 =	vgt.f32 v8, v1  }
0x227: {  	s8 =	sadd.s32 s14, s7;
	v3 =	vsel vm14, $0x10000, v0;
	v13 =	vor.u32 v16, v61;
	v16 =	vld [tilespmem:s0+$0x290];
	v1 =	vsel vm9, $0x10000, v0  }
0x228: {  	s2 =	sadd.s32 $0x12100, s8;
	vm11 =	vgt.f32 v4, v7;
	v4 =	vld.idx.msk [tilespmem:v33+s5+$0x0], $0xffff;
	v8 =	vor.u32 v1, v5;
	v1 =	vsel vm10, $0x10000, v0  }
0x229: {  	[tilespmem:s2+$0x70] =	vst v2;
	v17 =	vsel vm15, $0x10000, v0;
	v5 =	vld.idx.msk [tilespmem:v34+s5+$0x0], $0xffff;
	v7 =	vor.u32 v1, v6;
	v1 =	vsel vm11, $0x10000, v0  }
0x22a: {  	s31 =	sor.u32 $0x1, s31;
	s7 =	simm.s32 $0x0;
	v3 =	vor.u32 v3, v63;
	v2 =	vor.u32 v17, v22;
	v6 =	vor.u32 v1, v60;
	v1 =	vld.idx.msk [tilespmem:v36+s5+$0x0], $0xffff  }
.LBB2_7:
0x22b: {  	s7 =	sadd.s32 $0x8, s7;
	v17 =	vld [tilespmem:s0+$0x2A0]  }
0x22c: {  	s9 =	sshll.u32 s7, $0x3;
	s10 =	sshll.u32 s7, $0x6;
	p0 =	slt.u32 s7, $0xF8;
	v18 =	vld [tilespmem:s0+$0x2B0]  }
0x22d: {  	s3 =	sadd.s32 $0x400, s3;
	s10 =	sand.u32 $0x2000, s10;
	s14 =	sand.u32 $0x200, s9;
	v19 =	vld [tilespmem:s0+$0x2C0]  }
0x22e: {  	s9 =	sand.u32 $0x1C00, s3;
	s10 =	sor.u32 s10, s14;
	vm0 =	vgt.f32 v15, v11;
	v11 =	vld [tilespmem:s0+$0x2D0]  }
0x22f: {  	v15 =	vsel vm0, $0x1000000, v0;
	vm0 =	vgt.f32 v16, v14;
	v14 =	vld [tilespmem:s0+$0x2E0];
	s0 =	sor.u32 s9, s10  }
0x230: {  	v16 =	vld [tilespmem:s0+$0x8170];
	v8 =	vor.u32 v15, v8;
	v15 =	vsel vm0, $0x1000000, v0;
	vm0 =	vgt.f32 v17, v12  }
0x231: {  	v12 =	vld [tilespmem:s0+$0x81F0];
	[tilespmem:s8+$0x12100] =	vst v8;
	v7 =	vor.u32 v15, v7;
	v8 =	vsel vm0, $0x1000000, v0;
	vm0 =	vgt.f32 v18, v4  }
0x232: {  	v4 =	vld [tilespmem:s0+$0x8270];
	[tilespmem:s2+$0x10] =	vst v7;
	v6 =	vor.u32 v8, v6;
	v7 =	vsel vm0, $0x1000000, v0;
	vm0 =	vgt.f32 v19, v5  }
0x233: {  	v5 =	vld [tilespmem:s0+$0x82F0];
	[tilespmem:s2+$0x20] =	vst v6;
	v6 =	vor.u32 v7, v9;
	v7 =	vsel vm0, $0x1000000, v0;
	vm0 =	vgt.f32 v11, v10  }
0x234: {  	v8 =	vld [tilespmem:s0+$0x8100];
	[tilespmem:s2+$0x30] =	vst v6;
	v6 =	vor.u32 v7, v13;
	v7 =	vsel vm0, $0x1000000, v0;
	vm0 =	vgt.f32 v14, v1  }
0x235: {  	v1 =	vld [tilespmem:s0+$0x270];
	[tilespmem:s2+$0x40] =	vst v6;
	v3 =	vor.u32 v7, v3;
	v6 =	vsel vm0, $0x1000000, v0  }
0x236: {  	v7 =	vld [tilespmem:s0+$0x170];
	[tilespmem:s2+$0x50] =	vst v3;
	v2 =	vor.u32 v6, v2  }
0x237: {  	v3 =	vld [tilespmem:s0+$0x1F0];
	[tilespmem:s2+$0x60] =	vst v2  }
0x238: {  	v2 =	vld.idx.msk [tilespmem:v16+s5+$0x0], $0xffff  }
0x239: {  	v6 =	vld.idx.msk [tilespmem:v12+s5+$0x0], $0xffff  }
0x23a: {  	v4 =	vld.idx.msk [tilespmem:v4+s5+$0x0], $0xffff  }
0x23b: {  	v5 =	vld.idx.msk [tilespmem:v5+s5+$0x0], $0xffff  }
0x23c: {  	v9 =	vld [tilespmem:s0+$0x2F0]  }
0x23d: {  	v10 =	vld [tilespmem:s0+$0x8180]  }
0x23e: {  	v11 =	vld [tilespmem:s0+$0x8110]  }
0x23f: {  	vm0 =	vgt.f32 v7, v2;
	vm1 =	vgt.f32 v3, v6;
	v12 =	vld [tilespmem:s0+$0x8190]  }
0x240: {  	s2 =	sshll.u32 s7, $0x1;
	v2 =	vsel vm0, $0x1, v0;
	v3 =	vsel vm1, $0x100, v0;
	vm0 =	vgt.f32 v1, v4;
	v13 =	vld [tilespmem:s0+$0x8120]  }
0x241: {  	s2 =	sand.u32 $0x3FFFFF80, s2;
	v1 =	vor.u32 v2, v3;
	v2 =	vsel vm0, $0x10000, v0;
	v14 =	vld [tilespmem:s0+$0x81A0];
	vm0 =	vgt.f32 v9, v5  }
0x242: {  	s8 =	sadd.s32 s9, s2;
	v1 =	vor.u32 v2, v1;
	v9 =	vld [tilespmem:s0+$0x8130];
	v2 =	vsel vm0, $0x1000000, v0  }
0x243: {  	s2 =	sadd.s32 $0x12100, s8;
	v15 =	vld [tilespmem:s0+$0x81B0];
	v1 =	vor.u32 v2, v1  }
0x244: {  	v16 =	vld [tilespmem:s0+$0x8140];
	[tilespmem:s2+$0x70] =	vst v1  }
0x245: {  	v17 =	vld [tilespmem:s0+$0x81C0]  }
0x246: {  	v18 =	vld [tilespmem:s0+$0x8150]  }
0x247: {  	v19 =	vld [tilespmem:s0+$0x81D0]  }
0x248: {  	v20 =	vld [tilespmem:s0+$0x8160]  }
0x249: {  	v21 =	vld [tilespmem:s0+$0x81E0]  }
0x24a: {  	v22 =	vld [tilespmem:s0+$0x8200]  }
0x24b: {  	v23 =	vld [tilespmem:s0+$0x8210]  }
0x24c: {  	v24 =	vld [tilespmem:s0+$0x8220]  }
0x24d: {  	v25 =	vld [tilespmem:s0+$0x8230]  }
0x24e: {  	v26 =	vld [tilespmem:s0+$0x8240]  }
0x24f: {  	v27 =	vld [tilespmem:s0+$0x8250]  }
0x250: {  	v28 =	vld [tilespmem:s0+$0x8260]  }
0x251: {  	v7 =	vld [tilespmem:s0+$0x8280]  }
0x252: {  	v6 =	vld [tilespmem:s0+$0x8290]  }
0x253: {  	v5 =	vld [tilespmem:s0+$0x82A0]  }
0x254: {  	v4 =	vld [tilespmem:s0+$0x82B0]  }
0x255: {  	v3 =	vld [tilespmem:s0+$0x82C0]  }
0x256: {  	v2 =	vld [tilespmem:s0+$0x82D0]  }
0x257: {  	v1 =	vld [tilespmem:s0+$0x82E0]  }
0x258: {  	v8 =	vld.idx.msk [tilespmem:v8+s5+$0x0], $0xffff  }
0x259: {  	v10 =	vld.idx.msk [tilespmem:v10+s5+$0x0], $0xffff  }
0x25a: {  	v11 =	vld.idx.msk [tilespmem:v11+s5+$0x0], $0xffff  }
0x25b: {  	v12 =	vld.idx.msk [tilespmem:v12+s5+$0x0], $0xffff  }
0x25c: {  	v13 =	vld.idx.msk [tilespmem:v13+s5+$0x0], $0xffff  }
0x25d: {  	v14 =	vld.idx.msk [tilespmem:v14+s5+$0x0], $0xffff  }
0x25e: {  	v9 =	vld.idx.msk [tilespmem:v9+s5+$0x0], $0xffff  }
0x25f: {  	v15 =	vld.idx.msk [tilespmem:v15+s5+$0x0], $0xffff  }
0x260: {  	v16 =	vld.idx.msk [tilespmem:v16+s5+$0x0], $0xffff  }
0x261: {  	v17 =	vld.idx.msk [tilespmem:v17+s5+$0x0], $0xffff  }
0x262: {  	v18 =	vld.idx.msk [tilespmem:v18+s5+$0x0], $0xffff  }
0x263: {  	v19 =	vld.idx.msk [tilespmem:v19+s5+$0x0], $0xffff  }
0x264: {  	v20 =	vld.idx.msk [tilespmem:v20+s5+$0x0], $0xffff  }
0x265: {  	v21 =	vld.idx.msk [tilespmem:v21+s5+$0x0], $0xffff  }
0x266: {  	v29 =	vld [tilespmem:s0+$0x100]  }
0x267: {  	v30 =	vld [tilespmem:s0+$0x180]  }
0x268: {  	v31 =	vld [tilespmem:s0+$0x110]  }
0x269: {  	v32 =	vld [tilespmem:s0+$0x190]  }
0x26a: {  	v33 =	vld [tilespmem:s0+$0x120]  }
0x26b: {  	vm0 =	vgt.f32 v29, v8;
	v8 =	vld [tilespmem:s0+$0x1A0]  }
0x26c: {  	v29 =	vsel vm0, $0x1, v0;
	vm0 =	vgt.f32 v30, v10;
	v10 =	vld [tilespmem:s0+$0x130]  }
0x26d: {  	v30 =	vsel vm0, $0x100, v0;
	vm0 =	vgt.f32 v31, v11;
	v11 =	vld [tilespmem:s0+$0x1B0]  }
0x26e: {  	v29 =	vor.u32 v29, v30;
	v30 =	vsel vm0, $0x1, v0;
	vm0 =	vgt.f32 v32, v12;
	v12 =	vld [tilespmem:s0+$0x140]  }
0x26f: {  	v31 =	vsel vm0, $0x100, v0;
	vm0 =	vgt.f32 v33, v13;
	v13 =	vld [tilespmem:s0+$0x1C0]  }
0x270: {  	v30 =	vor.u32 v30, v31;
	v31 =	vsel vm0, $0x1, v0;
	vm0 =	vgt.f32 v8, v14;
	v8 =	vld [tilespmem:s0+$0x150]  }
0x271: {  	v14 =	vsel vm0, $0x100, v0;
	vm0 =	vgt.f32 v10, v9;
	v9 =	vld [tilespmem:s0+$0x1D0]  }
0x272: {  	v10 =	vor.u32 v31, v14;
	v14 =	vsel vm0, $0x1, v0;
	vm0 =	vgt.f32 v11, v15;
	v11 =	vld [tilespmem:s0+$0x160]  }
0x273: {  	v15 =	vsel vm0, $0x100, v0;
	vm0 =	vgt.f32 v12, v16;
	v12 =	vld [tilespmem:s0+$0x1E0]  }
0x274: {  	v16 =	vld.idx.msk [tilespmem:v22+s5+$0x0], $0xffff;
	v15 =	vor.u32 v14, v15;
	v14 =	vsel vm0, $0x1, v0;
	vm0 =	vgt.f32 v13, v17  }
0x275: {  	v13 =	vld.idx.msk [tilespmem:v23+s5+$0x0], $0xffff;
	v17 =	vsel vm0, $0x100, v0;
	vm0 =	vgt.f32 v8, v18  }
0x276: {  	v18 =	vld.idx.msk [tilespmem:v24+s5+$0x0], $0xffff;
	v17 =	vor.u32 v14, v17;
	v8 =	vsel vm0, $0x1, v0;
	vm0 =	vgt.f32 v9, v19  }
0x277: {  	v9 =	vld.idx.msk [tilespmem:v25+s5+$0x0], $0xffff;
	v14 =	vsel vm0, $0x100, v0;
	vm0 =	vgt.f32 v11, v20  }
0x278: {  	v19 =	vld.idx.msk [tilespmem:v26+s5+$0x0], $0xffff;
	v20 =	vor.u32 v8, v14;
	v8 =	vsel vm0, $0x1, v0;
	vm0 =	vgt.f32 v12, v21  }
0x279: {  	v21 =	vld.idx.msk [tilespmem:v27+s5+$0x0], $0xffff;
	v11 =	vsel vm0, $0x100, v0  }
0x27a: {  	v22 =	vor.u32 v8, v11;
	v23 =	vld.idx.msk [tilespmem:v28+s5+$0x0], $0xffff  }
0x27b: {  	v8 =	vld [tilespmem:s0+$0x200]  }
0x27c: {  	v11 =	vld [tilespmem:s0+$0x210]  }
0x27d: {  	v12 =	vld [tilespmem:s0+$0x220]  }
0x27e: {  	v24 =	vld [tilespmem:s0+$0x230]  }
0x27f: {  	v25 =	vld [tilespmem:s0+$0x240]  }
0x280: {  	vm0 =	vgt.f32 v8, v16;
	v16 =	vld [tilespmem:s0+$0x250]  }
0x281: {  	v8 =	vsel vm0, $0x10000, v0;
	vm0 =	vgt.f32 v11, v13;
	v26 =	vld [tilespmem:s0+$0x260]  }
0x282: {  	v8 =	vor.u32 v8, v29;
	v11 =	vld.idx.msk [tilespmem:v7+s5+$0x0], $0xffff;
	v7 =	vsel vm0, $0x10000, v0;
	vm0 =	vgt.f32 v12, v18  }
0x283: {  	v7 =	vor.u32 v7, v30;
	v14 =	vld.idx.msk [tilespmem:v6+s5+$0x0], $0xffff;
	v6 =	vsel vm0, $0x10000, v0;
	vm0 =	vgt.f32 v24, v9  }
0x284: {  	v6 =	vor.u32 v6, v10;
	v12 =	vld.idx.msk [tilespmem:v5+s5+$0x0], $0xffff;
	v5 =	vsel vm0, $0x10000, v0;
	vm0 =	vgt.f32 v25, v19  }
0x285: {  	v9 =	vor.u32 v5, v15;
	v4 =	vld.idx.msk [tilespmem:v4+s5+$0x0], $0xffff;
	v5 =	vsel vm0, $0x10000, v0;
	vm0 =	vgt.f32 v16, v21  }
.Ltmp2:
0x286: {  	v13 =	vor.u32 v5, v17;
	v5 =	vld.idx.msk [tilespmem:v3+s5+$0x0], $0xffff;
	v3 =	vsel vm0, $0x10000, v0;
	vm0 =	vgt.f32 v26, v23;
	(pc) =	sbr.rel @p0 .LBB2_7-.Ltmp2, $4  }
0x287: {  	v3 =	vor.u32 v3, v20;
	v10 =	vld.idx.msk [tilespmem:v2+s5+$0x0], $0xffff;
	v2 =	vsel vm0, $0x10000, v0  }
0x288: {  	v2 =	vor.u32 v2, v22;
	v1 =	vld.idx.msk [tilespmem:v1+s5+$0x0], $0xffff  }
0x289: {  	v15 =	vld [tilespmem:s0+$0x280]  }
0x28a: {  	v16 =	vld [tilespmem:s0+$0x290]  }
0x28b: {  	v17 =	vld [tilespmem:s0+$0x2A0]  }
0x28c: {  	v18 =	vld [tilespmem:s0+$0x2B0]  }
0x28d: {  	v19 =	vld [tilespmem:s0+$0x2C0]  }
0x28e: {  	vm0 =	vgt.f32 v15, v11;
	v11 =	vld [tilespmem:s0+$0x2D0]  }
0x28f: {  	v15 =	vsel vm0, $0x1000000, v0;
	vm10 =	vgt.f32 v16, v14;
	v14 =	vld [tilespmem:s0+$0x2E0]  }
0x290: {  	v8 =	vor.u32 v15, v8;
	v15 =	vsel vm10, $0x1000000, v0;
	vm11 =	vgt.f32 v17, v12  }
0x291: {  	vm12 =	vgt.f32 v18, v4;
	[tilespmem:s8+$0x12100] =	vst v8;
	v7 =	vor.u32 v15, v7;
	v8 =	vsel vm11, $0x1000000, v0  }
0x292: {  	vm13 =	vgt.f32 v19, v5;
	[tilespmem:s2+$0x10] =	vst v7;
	v4 =	vor.u32 v8, v6;
	v6 =	vsel vm12, $0x1000000, v0  }
0x293: {  	v5 =	vsel vm13, $0x1000000, v0;
	[tilespmem:s2+$0x20] =	vst v4;
	v4 =	vor.u32 v6, v9;
	vm14 =	vgt.f32 v11, v10  }
0x294: {  	[tilespmem:s2+$0x30] =	vst v4;
	v4 =	vor.u32 v5, v13;
	v5 =	vsel vm14, $0x1000000, v0;
	vm15 =	vgt.f32 v14, v1  }
0x295: {  	p0 =	sgt.u32 s31, $0xE;
	s0 =	sshll.u32 s31, $0xC;
	[tilespmem:s2+$0x40] =	vst v4;
	v1 =	vor.u32 v5, v3;
	v3 =	vsel vm15, $0x1000000, v0  }
0x296: {  	s3 =	sadd.s32 @!p0 s0, s12;
	[tilespmem:s2+$0x50] =	vst v1;
	v1 =	vor.u32 v3, v2  }
0x297: {  	s7 =	simm.s32 @!p0 $0x0;
	s8 =	simm.s32 @!p0 $0x100;
	[tilespmem:s2+$0x60] =	vst v1;
	s2 =	sadd.s32 @!p0 s1, s3  }
0x298: {  	[tilespmem:s8], [sflag:$0x1] =	stream.linear.gather @!p0 [hbm4b:s2+s7], $0x4000, $0x38;
	[tilespmem:$0x14100] =	vst v63  }
0x299: {  	s2 =	sadd.s32 @!p0 s4, s3;
	s3 =	simm.s32 @!p0 $0x8100  }
0x29a: {  	[tilespmem:s3], [sflag:$0x3] =	stream.linear.gather @!p0 [hbm4b:s2+s7], $0x4000, $0x38;
	[tilespmem:$0x14100] =	vst v63  }
0x29b: {  	_ =	swait.ge [sflag:s22], $0x4000  }
0x29c: {  	s9 =	simm.s32 $0x0;
	[sflag:s22] =	ssyncset.done $0x0  }
0x29d: {  	s10 =	sand.u32 $0x2000, s9;
	s8 =	simm.s32 $0x0;
	[sflag:s22] =	ssyncadd.s32 $0xFFFFC000  }
0x29e: {  	s3 =	simm.s32 $0x0;
	s2 =	sand.u32 $0x200, s8;
	_ =	swait.ge [sflag:s23], $0x4000  }
0x29f: {  	s14 =	sand.u32 $0x1C00, s3;
	s2 =	sor.u32 s10, s2;
	[sflag:s23] =	ssyncset.done $0x0  }
0x2a0: {  	s2 =	sor.u32 s14, s2;
	[sflag:s23] =	ssyncadd.s32 $0xFFFFC000  }
0x2a1: {  	v1 =	vld [tilespmem:s2+$0xC170]  }
0x2a2: {  	v2 =	vld [tilespmem:s2+$0xC1F0]  }
0x2a3: {  	v3 =	vld [tilespmem:s2+$0xC270]  }
0x2a4: {  	v4 =	vld [tilespmem:s2+$0xC2F0]  }
0x2a5: {  	v5 =	vld [tilespmem:s2+$0xC100]  }
0x2a6: {  	v6 =	vld [tilespmem:s2+$0x4270]  }
0x2a7: {  	v7 =	vld [tilespmem:s2+$0x4170]  }
0x2a8: {  	v8 =	vld [tilespmem:s2+$0x41F0]  }
0x2a9: {  	v9 =	vld [tilespmem:s2+$0x42F0]  }
0x2aa: {  	v10 =	vld [tilespmem:s2+$0xC180]  }
0x2ab: {  	v11 =	vld [tilespmem:s2+$0xC110]  }
0x2ac: {  	v12 =	vld [tilespmem:s2+$0xC190]  }
0x2ad: {  	v13 =	vld [tilespmem:s2+$0xC120]  }
0x2ae: {  	v14 =	vld [tilespmem:s2+$0xC1A0]  }
0x2af: {  	v15 =	vld [tilespmem:s2+$0xC130]  }
0x2b0: {  	v16 =	vld [tilespmem:s2+$0xC1B0]  }
0x2b1: {  	v17 =	vld [tilespmem:s2+$0xC140]  }
0x2b2: {  	v18 =	vld [tilespmem:s2+$0xC1C0]  }
0x2b3: {  	v19 =	vld [tilespmem:s2+$0xC150]  }
0x2b4: {  	v20 =	vld [tilespmem:s2+$0xC1D0]  }
0x2b5: {  	v21 =	vld [tilespmem:s2+$0xC160]  }
0x2b6: {  	v22 =	vld [tilespmem:s2+$0xC1E0]  }
0x2b7: {  	v23 =	vld [tilespmem:s2+$0xC200]  }
0x2b8: {  	v24 =	vld [tilespmem:s2+$0xC210]  }
0x2b9: {  	v25 =	vld [tilespmem:s2+$0xC220]  }
0x2ba: {  	v26 =	vld [tilespmem:s2+$0xC230]  }
0x2bb: {  	v27 =	vld [tilespmem:s2+$0xC240]  }
0x2bc: {  	v28 =	vld [tilespmem:s2+$0xC250]  }
0x2bd: {  	v29 =	vld [tilespmem:s2+$0xC260]  }
0x2be: {  	v30 =	vld [tilespmem:s2+$0xC280]  }
0x2bf: {  	v31 =	vld [tilespmem:s2+$0xC290]  }
0x2c0: {  	v32 =	vld [tilespmem:s2+$0xC2A0]  }
0x2c1: {  	v33 =	vld [tilespmem:s2+$0xC2B0]  }
0x2c2: {  	v34 =	vld [tilespmem:s2+$0xC2C0]  }
0x2c3: {  	v35 =	vld [tilespmem:s2+$0xC2D0]  }
0x2c4: {  	v36 =	vld [tilespmem:s2+$0xC2E0]  }
0x2c5: {  	v37 =	vld [tilespmem:s2+$0x4100]  }
0x2c6: {  	v38 =	vld [tilespmem:s2+$0x4180]  }
0x2c7: {  	v39 =	vld [tilespmem:s2+$0x4110]  }
0x2c8: {  	v40 =	vld [tilespmem:s2+$0x4190]  }
0x2c9: {  	v41 =	vld [tilespmem:s2+$0x4120]  }
0x2ca: {  	v42 =	vld [tilespmem:s2+$0x41A0]  }
0x2cb: {  	v43 =	vld [tilespmem:s2+$0x4130]  }
0x2cc: {  	v44 =	vld [tilespmem:s2+$0x41B0]  }
0x2cd: {  	v45 =	vld [tilespmem:s2+$0x4140]  }
0x2ce: {  	v46 =	vld [tilespmem:s2+$0x41C0]  }
0x2cf: {  	v47 =	vld [tilespmem:s2+$0x4150]  }
0x2d0: {  	v48 =	vld [tilespmem:s2+$0x41D0]  }
0x2d1: {  	v49 =	vld [tilespmem:s2+$0x4160]  }
0x2d2: {  	v50 =	vld [tilespmem:s2+$0x41E0]  }
0x2d3: {  	v62 =	vld [tilespmem:s2+$0x4260]  }
0x2d4: {  	v1 =	vld.idx.msk [tilespmem:v1+s5+$0x0], $0xffff  }
0x2d5: {  	v2 =	vld.idx.msk [tilespmem:v2+s5+$0x0], $0xffff  }
0x2d6: {  	v3 =	vld.idx.msk [tilespmem:v3+s5+$0x0], $0xffff  }
0x2d7: {  	v4 =	vld.idx.msk [tilespmem:v4+s5+$0x0], $0xffff  }
0x2d8: {  	v5 =	vld.idx.msk [tilespmem:v5+s5+$0x0], $0xffff  }
0x2d9: {  	v10 =	vld.idx.msk [tilespmem:v10+s5+$0x0], $0xffff  }
0x2da: {  	v11 =	vld.idx.msk [tilespmem:v11+s5+$0x0], $0xffff  }
0x2db: {  	v12 =	vld.idx.msk [tilespmem:v12+s5+$0x0], $0xffff  }
0x2dc: {  	v13 =	vld.idx.msk [tilespmem:v13+s5+$0x0], $0xffff  }
0x2dd: {  	v14 =	vld.idx.msk [tilespmem:v14+s5+$0x0], $0xffff  }
0x2de: {  	v15 =	vld.idx.msk [tilespmem:v15+s5+$0x0], $0xffff  }
0x2df: {  	v16 =	vld.idx.msk [tilespmem:v16+s5+$0x0], $0xffff  }
0x2e0: {  	v17 =	vld.idx.msk [tilespmem:v17+s5+$0x0], $0xffff  }
0x2e1: {  	v18 =	vld.idx.msk [tilespmem:v18+s5+$0x0], $0xffff  }
0x2e2: {  	v19 =	vld.idx.msk [tilespmem:v19+s5+$0x0], $0xffff  }
0x2e3: {  	v20 =	vld.idx.msk [tilespmem:v20+s5+$0x0], $0xffff  }
0x2e4: {  	v21 =	vld.idx.msk [tilespmem:v21+s5+$0x0], $0xffff  }
0x2e5: {  	v22 =	vld.idx.msk [tilespmem:v22+s5+$0x0], $0xffff;
	vm4 =	vgt.f32 v7, v1  }
0x2e6: {  	v59 =	vld.idx.msk [tilespmem:v28+s5+$0x0], $0xffff;
	vm1 =	vgt.f32 v8, v2;
	vm5 =	vgt.f32 v6, v3;
	vm6 =	vgt.f32 v9, v4  }
0x2e7: {  	v1 =	vld.idx.msk [tilespmem:v23+s5+$0x0], $0xffff;
	vm7 =	vgt.f32 v37, v5;
	vm8 =	vgt.f32 v38, v10;
	vm9 =	vgt.f32 v39, v11  }
0x2e8: {  	v3 =	vld.idx.msk [tilespmem:v24+s5+$0x0], $0xffff;
	vm10 =	vgt.f32 v40, v12;
	vm11 =	vgt.f32 v41, v13;
	vm12 =	vgt.f32 v42, v14  }
0x2e9: {  	v7 =	vld.idx.msk [tilespmem:v25+s5+$0x0], $0xffff;
	vm13 =	vgt.f32 v43, v15;
	vm14 =	vgt.f32 v44, v16;
	vm15 =	vgt.f32 v45, v17  }
0x2ea: {  	v9 =	vld.idx.msk [tilespmem:v26+s5+$0x0], $0xffff;
	v2 =	vsel vm4, $0x1, v0;
	v6 =	vsel vm1, $0x100, v0;
	v4 =	vsel vm5, $0x10000, v0  }
0x2eb: {  	v10 =	vld.idx.msk [tilespmem:v27+s5+$0x0], $0xffff;
	v5 =	vsel vm6, $0x1000000, v0;
	v8 =	vsel vm7, $0x1, v0;
	v11 =	vsel vm11, $0x1, v0  }
0x2ec: {  	v13 =	vld.idx.msk [tilespmem:v29+s5+$0x0], $0xffff;
	v12 =	vsel vm12, $0x100, v0;
	vm4 =	vgt.f32 v46, v18;
	vm5 =	vgt.f32 v47, v19  }
0x2ed: {  	v15 =	vld [tilespmem:s2+$0x4210];
	vm6 =	vgt.f32 v48, v20;
	vm7 =	vgt.f32 v49, v21;
	v2 =	vor.u32 v2, v6  }
0x2ee: {  	v16 =	vld [tilespmem:s2+$0x4230];
	v6 =	vsel vm8, $0x100, v0;
	v60 =	vor.u32 v11, v12;
	v11 =	vsel vm13, $0x1, v0  }
0x2ef: {  	v14 =	vld.idx.msk [tilespmem:v31+s5+$0x0], $0xffff;
	v12 =	vsel vm14, $0x100, v0;
	vm8 =	vgt.f32 v50, v22;
	v2 =	vor.u32 v4, v2  }
0x2f0: {  	v18 =	vld [tilespmem:s2+$0x4240];
	v4 =	vsel vm9, $0x1, v0;
	v17 =	vor.u32 v11, v12;
	v11 =	vsel vm15, $0x1, v0  }
0x2f1: {  	v19 =	vld [tilespmem:s2+$0x4250];
	v12 =	vsel vm4, $0x100, v0;
	v22 =	vsel vm8, $0x100, v0;
	v2 =	vor.u32 v5, v2  }
0x2f2: {  	v5 =	vor.u32 v8, v6;
	v6 =	vsel vm10, $0x100, v0;
	v8 =	vld [tilespmem:s2+$0x4200];
	v61 =	vor.u32 v11, v12  }
0x2f3: {  	v11 =	vsel vm5, $0x1, v0;
	v12 =	vsel vm6, $0x100, v0;
	v6 =	vor.u32 v4, v6;
	v4 =	vld [tilespmem:s2+$0x4220]  }
0x2f4: {  	v63 =	vor.u32 v11, v12;
	v11 =	vld.idx.msk [tilespmem:v30+s5+$0x0], $0xffff;
	v12 =	vsel vm7, $0x1, v0;
	vm10 =	vgt.f32 v15, v3  }
0x2f5: {  	vm12 =	vgt.f32 v16, v9;
	vm15 =	vgt.f32 v62, v13;
	v15 =	vld [tilespmem:s2+$0x4280];
	v22 =	vor.u32 v12, v22  }
0x2f6: {  	s15 =	simm.s32 $0x0;
	v12 =	vld.idx.msk [tilespmem:v32+s5+$0x0], $0xffff;
	v3 =	vsel vm12, $0x10000, v0;
	vm13 =	vgt.f32 v18, v10;
	vm14 =	vgt.f32 v19, v59  }
0x2f7: {  	s8 =	sand.u32 $0x3FFFFF80, s15;
	v10 =	vld.idx.msk [tilespmem:v35+s5+$0x0], $0xffff;
	v16 =	vsel vm13, $0x10000, v0;
	v9 =	vor.u32 v3, v17;
	vm9 =	vgt.f32 v8, v1  }
0x2f8: {  	s9 =	sadd.s32 s14, s8;
	v3 =	vsel vm14, $0x10000, v0;
	v13 =	vor.u32 v16, v61;
	v16 =	vld [tilespmem:s2+$0x4290];
	v1 =	vsel vm9, $0x10000, v0  }
0x2f9: {  	s7 =	sadd.s32 $0x12100, s9;
	vm11 =	vgt.f32 v4, v7;
	v4 =	vld.idx.msk [tilespmem:v33+s5+$0x0], $0xffff;
	v8 =	vor.u32 v1, v5;
	v1 =	vsel vm10, $0x10000, v0  }
0x2fa: {  	[tilespmem:s7+$0x270] =	vst v2;
	v17 =	vsel vm15, $0x10000, v0;
	v5 =	vld.idx.msk [tilespmem:v34+s5+$0x0], $0xffff;
	v7 =	vor.u32 v1, v6;
	v1 =	vsel vm11, $0x10000, v0  }
0x2fb: {  	s8 =	simm.s32 $0x0;
	v3 =	vor.u32 v3, v63;
	v2 =	vor.u32 v17, v22;
	v6 =	vor.u32 v1, v60;
	v1 =	vld.idx.msk [tilespmem:v36+s5+$0x0], $0xffff  }
.LBB2_9:
0x2fc: {  	s8 =	sadd.s32 $0x8, s8;
	v17 =	vld [tilespmem:s2+$0x42A0]  }
0x2fd: {  	s10 =	sshll.u32 s8, $0x3;
	s14 =	sshll.u32 s8, $0x6;
	p1 =	slt.u32 s8, $0xF8;
	v18 =	vld [tilespmem:s2+$0x42B0]  }
0x2fe: {  	s3 =	sadd.s32 $0x400, s3;
	s14 =	sand.u32 $0x2000, s14;
	s15 =	sand.u32 $0x200, s10;
	v19 =	vld [tilespmem:s2+$0x42C0]  }
0x2ff: {  	s10 =	sand.u32 $0x1C00, s3;
	s14 =	sor.u32 s14, s15;
	vm0 =	vgt.f32 v15, v11;
	v11 =	vld [tilespmem:s2+$0x42D0]  }
0x300: {  	v15 =	vsel vm0, $0x1000000, v0;
	vm0 =	vgt.f32 v16, v14;
	v14 =	vld [tilespmem:s2+$0x42E0];
	s2 =	sor.u32 s10, s14  }
0x301: {  	v16 =	vld [tilespmem:s2+$0xC170];
	v8 =	vor.u32 v15, v8;
	v15 =	vsel vm0, $0x1000000, v0;
	vm0 =	vgt.f32 v17, v12  }
0x302: {  	v12 =	vld [tilespmem:s2+$0xC1F0];
	[tilespmem:s9+$0x12300] =	vst v8;
	v7 =	vor.u32 v15, v7;
	v8 =	vsel vm0, $0x1000000, v0;
	vm0 =	vgt.f32 v18, v4  }
0x303: {  	v4 =	vld [tilespmem:s2+$0xC270];
	[tilespmem:s7+$0x210] =	vst v7;
	v6 =	vor.u32 v8, v6;
	v7 =	vsel vm0, $0x1000000, v0;
	vm0 =	vgt.f32 v19, v5  }
0x304: {  	v5 =	vld [tilespmem:s2+$0xC2F0];
	[tilespmem:s7+$0x220] =	vst v6;
	v6 =	vor.u32 v7, v9;
	v7 =	vsel vm0, $0x1000000, v0;
	vm0 =	vgt.f32 v11, v10  }
0x305: {  	v8 =	vld [tilespmem:s2+$0xC100];
	[tilespmem:s7+$0x230] =	vst v6;
	v6 =	vor.u32 v7, v13;
	v7 =	vsel vm0, $0x1000000, v0;
	vm0 =	vgt.f32 v14, v1  }
0x306: {  	v1 =	vld [tilespmem:s2+$0x4270];
	[tilespmem:s7+$0x240] =	vst v6;
	v3 =	vor.u32 v7, v3;
	v6 =	vsel vm0, $0x1000000, v0  }
0x307: {  	v7 =	vld [tilespmem:s2+$0x4170];
	[tilespmem:s7+$0x250] =	vst v3;
	v2 =	vor.u32 v6, v2  }
0x308: {  	v3 =	vld [tilespmem:s2+$0x41F0];
	[tilespmem:s7+$0x260] =	vst v2  }
0x309: {  	v2 =	vld.idx.msk [tilespmem:v16+s5+$0x0], $0xffff  }
0x30a: {  	v6 =	vld.idx.msk [tilespmem:v12+s5+$0x0], $0xffff  }
0x30b: {  	v4 =	vld.idx.msk [tilespmem:v4+s5+$0x0], $0xffff  }
0x30c: {  	v5 =	vld.idx.msk [tilespmem:v5+s5+$0x0], $0xffff  }
0x30d: {  	v9 =	vld [tilespmem:s2+$0x42F0]  }
0x30e: {  	v10 =	vld [tilespmem:s2+$0xC180]  }
0x30f: {  	v11 =	vld [tilespmem:s2+$0xC110]  }
0x310: {  	vm0 =	vgt.f32 v7, v2;
	vm1 =	vgt.f32 v3, v6;
	v12 =	vld [tilespmem:s2+$0xC190]  }
0x311: {  	s7 =	sshll.u32 s8, $0x1;
	v2 =	vsel vm0, $0x1, v0;
	v3 =	vsel vm1, $0x100, v0;
	vm0 =	vgt.f32 v1, v4;
	v13 =	vld [tilespmem:s2+$0xC120]  }
0x312: {  	s7 =	sand.u32 $0x3FFFFF80, s7;
	v1 =	vor.u32 v2, v3;
	v2 =	vsel vm0, $0x10000, v0;
	v14 =	vld [tilespmem:s2+$0xC1A0];
	vm0 =	vgt.f32 v9, v5  }
0x313: {  	s9 =	sadd.s32 s10, s7;
	v1 =	vor.u32 v2, v1;
	v9 =	vld [tilespmem:s2+$0xC130];
	v2 =	vsel vm0, $0x1000000, v0  }
0x314: {  	s7 =	sadd.s32 $0x12100, s9;
	v15 =	vld [tilespmem:s2+$0xC1B0];
	v1 =	vor.u32 v2, v1  }
0x315: {  	v16 =	vld [tilespmem:s2+$0xC140];
	[tilespmem:s7+$0x270] =	vst v1  }
0x316: {  	v17 =	vld [tilespmem:s2+$0xC1C0]  }
0x317: {  	v18 =	vld [tilespmem:s2+$0xC150]  }
0x318: {  	v19 =	vld [tilespmem:s2+$0xC1D0]  }
0x319: {  	v20 =	vld [tilespmem:s2+$0xC160]  }
0x31a: {  	v21 =	vld [tilespmem:s2+$0xC1E0]  }
0x31b: {  	v22 =	vld [tilespmem:s2+$0xC200]  }
0x31c: {  	v23 =	vld [tilespmem:s2+$0xC210]  }
0x31d: {  	v24 =	vld [tilespmem:s2+$0xC220]  }
0x31e: {  	v25 =	vld [tilespmem:s2+$0xC230]  }
0x31f: {  	v26 =	vld [tilespmem:s2+$0xC240]  }
0x320: {  	v27 =	vld [tilespmem:s2+$0xC250]  }
0x321: {  	v28 =	vld [tilespmem:s2+$0xC260]  }
0x322: {  	v7 =	vld [tilespmem:s2+$0xC280]  }
0x323: {  	v6 =	vld [tilespmem:s2+$0xC290]  }
0x324: {  	v5 =	vld [tilespmem:s2+$0xC2A0]  }
0x325: {  	v4 =	vld [tilespmem:s2+$0xC2B0]  }
0x326: {  	v3 =	vld [tilespmem:s2+$0xC2C0]  }
0x327: {  	v2 =	vld [tilespmem:s2+$0xC2D0]  }
0x328: {  	v1 =	vld [tilespmem:s2+$0xC2E0]  }
0x329: {  	v8 =	vld.idx.msk [tilespmem:v8+s5+$0x0], $0xffff  }
0x32a: {  	v10 =	vld.idx.msk [tilespmem:v10+s5+$0x0], $0xffff  }
0x32b: {  	v11 =	vld.idx.msk [tilespmem:v11+s5+$0x0], $0xffff  }
0x32c: {  	v12 =	vld.idx.msk [tilespmem:v12+s5+$0x0], $0xffff  }
0x32d: {  	v13 =	vld.idx.msk [tilespmem:v13+s5+$0x0], $0xffff  }
0x32e: {  	v14 =	vld.idx.msk [tilespmem:v14+s5+$0x0], $0xffff  }
0x32f: {  	v9 =	vld.idx.msk [tilespmem:v9+s5+$0x0], $0xffff  }
0x330: {  	v15 =	vld.idx.msk [tilespmem:v15+s5+$0x0], $0xffff  }
0x331: {  	v16 =	vld.idx.msk [tilespmem:v16+s5+$0x0], $0xffff  }
0x332: {  	v17 =	vld.idx.msk [tilespmem:v17+s5+$0x0], $0xffff  }
0x333: {  	v18 =	vld.idx.msk [tilespmem:v18+s5+$0x0], $0xffff  }
0x334: {  	v19 =	vld.idx.msk [tilespmem:v19+s5+$0x0], $0xffff  }
0x335: {  	v20 =	vld.idx.msk [tilespmem:v20+s5+$0x0], $0xffff  }
0x336: {  	v21 =	vld.idx.msk [tilespmem:v21+s5+$0x0], $0xffff  }
0x337: {  	v29 =	vld [tilespmem:s2+$0x4100]  }
0x338: {  	v30 =	vld [tilespmem:s2+$0x4180]  }
0x339: {  	v31 =	vld [tilespmem:s2+$0x4110]  }
0x33a: {  	v32 =	vld [tilespmem:s2+$0x4190]  }
0x33b: {  	v33 =	vld [tilespmem:s2+$0x4120]  }
0x33c: {  	vm0 =	vgt.f32 v29, v8;
	v8 =	vld [tilespmem:s2+$0x41A0]  }
0x33d: {  	v29 =	vsel vm0, $0x1, v0;
	vm0 =	vgt.f32 v30, v10;
	v10 =	vld [tilespmem:s2+$0x4130]  }
0x33e: {  	v30 =	vsel vm0, $0x100, v0;
	vm0 =	vgt.f32 v31, v11;
	v11 =	vld [tilespmem:s2+$0x41B0]  }
0x33f: {  	v29 =	vor.u32 v29, v30;
	v30 =	vsel vm0, $0x1, v0;
	vm0 =	vgt.f32 v32, v12;
	v12 =	vld [tilespmem:s2+$0x4140]  }
0x340: {  	v31 =	vsel vm0, $0x100, v0;
	vm0 =	vgt.f32 v33, v13;
	v13 =	vld [tilespmem:s2+$0x41C0]  }
0x341: {  	v30 =	vor.u32 v30, v31;
	v31 =	vsel vm0, $0x1, v0;
	vm0 =	vgt.f32 v8, v14;
	v8 =	vld [tilespmem:s2+$0x4150]  }
0x342: {  	v14 =	vsel vm0, $0x100, v0;
	vm0 =	vgt.f32 v10, v9;
	v9 =	vld [tilespmem:s2+$0x41D0]  }
0x343: {  	v10 =	vor.u32 v31, v14;
	v14 =	vsel vm0, $0x1, v0;
	vm0 =	vgt.f32 v11, v15;
	v11 =	vld [tilespmem:s2+$0x4160]  }
0x344: {  	v15 =	vsel vm0, $0x100, v0;
	vm0 =	vgt.f32 v12, v16;
	v12 =	vld [tilespmem:s2+$0x41E0]  }
0x345: {  	v16 =	vld.idx.msk [tilespmem:v22+s5+$0x0], $0xffff;
	v15 =	vor.u32 v14, v15;
	v14 =	vsel vm0, $0x1, v0;
	vm0 =	vgt.f32 v13, v17  }
0x346: {  	v13 =	vld.idx.msk [tilespmem:v23+s5+$0x0], $0xffff;
	v17 =	vsel vm0, $0x100, v0;
	vm0 =	vgt.f32 v8, v18  }
0x347: {  	v18 =	vld.idx.msk [tilespmem:v24+s5+$0x0], $0xffff;
	v17 =	vor.u32 v14, v17;
	v8 =	vsel vm0, $0x1, v0;
	vm0 =	vgt.f32 v9, v19  }
0x348: {  	v9 =	vld.idx.msk [tilespmem:v25+s5+$0x0], $0xffff;
	v14 =	vsel vm0, $0x100, v0;
	vm0 =	vgt.f32 v11, v20  }
0x349: {  	v19 =	vld.idx.msk [tilespmem:v26+s5+$0x0], $0xffff;
	v20 =	vor.u32 v8, v14;
	v8 =	vsel vm0, $0x1, v0;
	vm0 =	vgt.f32 v12, v21  }
0x34a: {  	v21 =	vld.idx.msk [tilespmem:v27+s5+$0x0], $0xffff;
	v11 =	vsel vm0, $0x100, v0  }
0x34b: {  	v22 =	vor.u32 v8, v11;
	v23 =	vld.idx.msk [tilespmem:v28+s5+$0x0], $0xffff  }
0x34c: {  	v8 =	vld [tilespmem:s2+$0x4200]  }
0x34d: {  	v11 =	vld [tilespmem:s2+$0x4210]  }
0x34e: {  	v12 =	vld [tilespmem:s2+$0x4220]  }
0x34f: {  	v24 =	vld [tilespmem:s2+$0x4230]  }
0x350: {  	v25 =	vld [tilespmem:s2+$0x4240]  }
0x351: {  	vm0 =	vgt.f32 v8, v16;
	v16 =	vld [tilespmem:s2+$0x4250]  }
0x352: {  	v8 =	vsel vm0, $0x10000, v0;
	vm0 =	vgt.f32 v11, v13;
	v26 =	vld [tilespmem:s2+$0x4260]  }
0x353: {  	v8 =	vor.u32 v8, v29;
	v11 =	vld.idx.msk [tilespmem:v7+s5+$0x0], $0xffff;
	v7 =	vsel vm0, $0x10000, v0;
	vm0 =	vgt.f32 v12, v18  }
0x354: {  	v7 =	vor.u32 v7, v30;
	v14 =	vld.idx.msk [tilespmem:v6+s5+$0x0], $0xffff;
	v6 =	vsel vm0, $0x10000, v0;
	vm0 =	vgt.f32 v24, v9  }
0x355: {  	v6 =	vor.u32 v6, v10;
	v12 =	vld.idx.msk [tilespmem:v5+s5+$0x0], $0xffff;
	v5 =	vsel vm0, $0x10000, v0;
	vm0 =	vgt.f32 v25, v19  }
0x356: {  	v9 =	vor.u32 v5, v15;
	v4 =	vld.idx.msk [tilespmem:v4+s5+$0x0], $0xffff;
	v5 =	vsel vm0, $0x10000, v0;
	vm0 =	vgt.f32 v16, v21  }
.Ltmp3:
0x357: {  	v13 =	vor.u32 v5, v17;
	v5 =	vld.idx.msk [tilespmem:v3+s5+$0x0], $0xffff;
	v3 =	vsel vm0, $0x10000, v0;
	vm0 =	vgt.f32 v26, v23;
	(pc) =	sbr.rel @p1 .LBB2_9-.Ltmp3, $4  }
0x358: {  	v3 =	vor.u32 v3, v20;
	v10 =	vld.idx.msk [tilespmem:v2+s5+$0x0], $0xffff;
	v2 =	vsel vm0, $0x10000, v0  }
0x359: {  	v2 =	vor.u32 v2, v22;
	v1 =	vld.idx.msk [tilespmem:v1+s5+$0x0], $0xffff  }
0x35a: {  	v15 =	vld [tilespmem:s2+$0x4280]  }
0x35b: {  	v16 =	vld [tilespmem:s2+$0x4290]  }
0x35c: {  	v17 =	vld [tilespmem:s2+$0x42A0]  }
0x35d: {  	v18 =	vld [tilespmem:s2+$0x42B0]  }
0x35e: {  	v19 =	vld [tilespmem:s2+$0x42C0]  }
0x35f: {  	v55 =	vld [tilespmem:s2+$0x42D0];
	vm0 =	vgt.f32 v15, v11  }
0x360: {  	v56 =	vld [tilespmem:s2+$0x42E0];
	v15 =	vsel vm0, $0x1000000, v0;
	vm10 =	vgt.f32 v16, v14  }
0x361: {  	v8 =	vor.u32 v15, v8;
	v57 =	vsel vm10, $0x1000000, v0;
	vm11 =	vgt.f32 v17, v12  }
0x362: {  	vm12 =	vgt.f32 v18, v4;
	[tilespmem:s9+$0x12300] =	vst v8;
	v7 =	vor.u32 v57, v7;
	v58 =	vsel vm11, $0x1000000, v0  }
0x363: {  	vm13 =	vgt.f32 v19, v5;
	v60 =	vsel vm12, $0x1000000, v0;
	[tilespmem:s7+$0x210] =	vst v7;
	v59 =	vor.u32 v58, v6  }
0x364: {  	vm14 =	vgt.f32 v55, v10;
	v5 =	vsel vm13, $0x1000000, v0;
	v61 =	vor.u32 v60, v9;
	[tilespmem:s7+$0x220] =	vst v59  }
0x365: {  	vm15 =	vgt.f32 v56, v1;
	v63 =	vsel vm14, $0x1000000, v0;
	v62 =	vor.u32 v5, v13;
	[tilespmem:s7+$0x230] =	vst v61  }
0x366: {  	v1 =	vor.u32 v63, v3;
	v3 =	vsel vm15, $0x1000000, v0;
	[tilespmem:s7+$0x240] =	vst v62  }
0x367: {  	s0 =	sadd.s32 @!p0 s0, s13;
	[tilespmem:s7+$0x250] =	vst v1;
	v1 =	vor.u32 v3, v2  }
0x368: {  	s3 =	simm.s32 @!p0 $0x0;
	s2 =	sadd.s32 @!p0 s1, s0;
	[tilespmem:s7+$0x260] =	vst v1;
	s7 =	simm.s32 @!p0 $0x4100  }
0x369: {  	[tilespmem:s7], [sflag:$0x2] =	stream.linear.gather @!p0 [hbm4b:s2+s3], $0x4000, $0x38;
	[tilespmem:$0x14100] =	vst v63  }
0x36a: {  	s30 =	sadd.s32 $0x1, s30;
	s0 =	sadd.s32 @!p0 s4, s0;
	s2 =	simm.s32 @!p0 $0xC100  }
0x36b: {  	[tilespmem:s2], [sflag:$0x4] =	stream.linear.gather @!p0 [hbm4b:s0+s3], $0x4000, $0x38;
	[tilespmem:$0x14100] =	vst v63  }
0x36c: {  	p0 =	sne.s32 s30, $0x8  }
.Ltmp4:
0x36d: {  	_ = 	snop;
	(pc) =	sbr.rel @p0 .LBB2_2-.Ltmp4, $4  }
0x36e: {  	_ = 	snop  }
0x36f: {  	s31 =	sshll.u32 s31, $0xA  }
0x370: {  	s0 =	sadd.s32 s31, s11  }
0x371: {  	[hbm4b:s0+s5] =	stream.linear.scatter [tilespmem:s25], [sflag:$0x6], $0x2000, $0x38;
	[tilespmem:$0x14100] =	vst v63  }
0x372: {  	_ =	swait.ge [sflag:s26], $0x2000  }
0x373: {  	[sflag:s26] =	ssyncset.done $0x0  }
0x374: {  	[sflag:s26] =	ssyncadd.s32 $0xFFFFE000  }
0x375: {  	_ =	swait.ge [sflag:s28], $0x2000  }
0x376: {  	s29 =	sadd.s32 $0x1, s29;
	s0 =	rddreg [dreg:$0x9]  }
0x377: {  	p0 =	sne.s32 s29, s0  }
.Ltmp5:
0x378: {  	_ = 	snop;
	(pc) =	sbr.rel @p0 .LBB2_1-.Ltmp5, $3  }
0x379: {  	_ =	sdelay $0x1  }
0x37a: {  	[sflag:s28] =	ssyncset.done $0x0  }
0x37b: {  	[sflag:s28] =	ssyncadd.s32 $0xFFFFE000  }
0x37c: {  	_ =	sfence.sel $0x180000  }
0x37d: {  	[bflag:$0x0] =	sbarrier.arrive $0xFFFF  }
0x37e: {  	_ =	strace $0x90000047  }
0x37f: {  	s0 =	stileid.u32;
	[bflag:$0x2] =	sbarrier.arrive $0xFFFF  }
0x380: {  	p0 =	sne.s32 s0, $0x0;
	s0 =	rddreg [dreg:$0x4]  }
0x381: {  	s0 =	sadd.s32 @!p0 $0x100000, s0  }
0x382: {  	[sflag:s0] =	ssyncadd.tile.s32 @!p0 $0x1;
	_ =	shalt  }
.Lfunc_end2:
_tile_overlayer_lowered:
.L_overlay_start_2:
0x383: {  	(tag) =	ssettag $0x2  }
0x384: {  	s0 =	rddreg [dreg:$0x0];
	s2 =	stileid.u32  }
0x385: {  	s1 =	rddreg [dreg:$0x1];
	p0 =	sne.s32 s2, $0x0  }
0x386: {  	s3 =	rddreg [dreg:$0x2];
	[bflag:$0x3] =	sbarrier.arrive $0xFFFF;
	s2 =	simm.s32 @!p0 $0x1C07  }
0x387: {  	[timem:s3], [sflag:s2] =	dma.local @!p0 [hbm:s0], s1  }
0x388: {  	s0 =	simm.s32 @!p0 $0x7  }
0x389: {  	_ =	swait.ge @!p0 [sflag:s0], s1  }
0x38a: {  	s1 =	ssub.s32 @!p0 $0x0, s1;
	[sflag:s0] =	ssyncset.done @!p0 $0x0  }
0x38b: {  	[sflag:s0] =	ssyncadd.s32 @!p0 s1  }
0x38c: {  	[bflag:$0x3] =	sbarrier.arrive $0xFFFF  }
0x38d: {  	_ =	shalt  }

</sc_bundles>
